<compile_context>
chip_gen: v7x
topology: tpu7x:2x2x1
jax: 0.10.2.dev20260603
libtpu: 0.0.44.dev20260713+nightly
codegen_flags: <defaults>
</compile_context>

<pallas_src>
import functools

import jax
import jax.numpy as jnp
from jax import lax
from jax.experimental import pallas as pl
from jax.experimental.pallas import tpu as pltpu
from jax.experimental.pallas import tpu_sc as plsc


def _gather_call(B0, H, D, bs_per_w, bchunk, nchunks, NC):
    mesh = plsc.VectorSubcoreMesh(core_axis_name="c", subcore_axis_name="s")
    chunk = bchunk * H

    @functools.partial(
        pl.kernel,
        mesh=mesh,
        out_type=jax.ShapeDtypeStruct((B0, H, D), jnp.float32),
        scratch_types=[
            pltpu.VMEM((chunk,), jnp.int32),
            pltpu.VMEM((chunk,), jnp.int32),
            pltpu.VMEM((chunk, D), jnp.float32),
            pltpu.VMEM((chunk, D), jnp.float32),
            pltpu.SemaphoreType.DMA,
            pltpu.SemaphoreType.DMA,
            pltpu.SemaphoreType.DMA,
            pltpu.SemaphoreType.DMA,
        ],
        compiler_params=pltpu.CompilerParams(use_tc_tiling_on_sc=False),
    )
    def k(idx_hbm, table_hbm, out_hbm, i0, i1, r0, r1, sg0, sg1, so0, so1):
        idx_v = [i0, i1]
        rows_v = [r0, r1]
        sg = [sg0, sg1]
        so = [so0, so1]
        wid = lax.axis_index("s") * NC + lax.axis_index("c")
        b_base = wid * bs_per_w

        def issue_outs(b, c):
            b0 = b_base + c * bchunk

            def body(i, carry):
                pltpu.async_copy(
                    rows_v[b].at[pl.ds(i * H, H)], out_hbm.at[b0 + i], so[b])
                return carry

            lax.fori_loop(0, bchunk, body, 0)
            return pltpu.make_async_copy(
                table_hbm.at[pl.ds(0, chunk)], rows_v[b], so[b])

        gathers = [None, None]
        outs = [None, None]
        pltpu.sync_copy(idx_hbm.at[pl.ds(b_base * H, chunk)], idx_v[0])
        gathers[0] = pltpu.async_copy(table_hbm.at[idx_v[0]], rows_v[0], sg[0])
        for c in range(nchunks):
            b = c % 2
            nb = (c + 1) % 2
            if c + 1 < nchunks:
                off = (b_base + (c + 1) * bchunk) * H
                pltpu.sync_copy(idx_hbm.at[pl.ds(off, chunk)], idx_v[nb])
                if c >= 1:
                    outs[nb].wait()
                gathers[nb] = pltpu.async_copy(
                    table_hbm.at[idx_v[nb]], rows_v[nb], sg[nb])
            gathers[b].wait()
            outs[b] = issue_outs(b, c)
        outs[0].wait()
        outs[1].wait()

    return k


def kernel(batch_ids, table):
    B0, H = batch_ids.shape
    V, D = table.shape
    flat = batch_ids.reshape(B0 * H).astype(jnp.int32)

    info = plsc.get_sparse_core_info()
    NC, NS = info.num_cores, info.num_subcores
    NW = NC * NS
    bs_per_w = B0 // NW
    bchunk = 32
    nchunks = bs_per_w // bchunk

    return _gather_call(B0, H, D, bs_per_w, bchunk, nchunks, NC)(flat, table)

# --- scband reference (transcript-rebuilt; emitter-appended) ---
"""Pipeline reference for scband-token-embedder-23304492548445 (READ-ONLY COPY).

The authoritative reference and input builder live on the scoring server;
editing this copy changes nothing except your own understanding.
"""

import jax, jax.numpy as jnp
import numpy as np

VOCAB = 1000000
EMB_DIM = 32
BATCH = 16384
HIST = 50

def setup_inputs(seed: int = 0) -> dict:
    key = jax.random.key(seed)
    k_idx, k_tab = jax.random.split(key)
    batch_ids = jax.random.randint(k_idx, (BATCH, HIST), 0, VOCAB, dtype=jnp.int64 if jax.config.read('jax_enable_x64') else jnp.int32)
    table = jax.random.normal(k_tab, (VOCAB, EMB_DIM), dtype=jnp.float32)
    return {"batch_ids": batch_ids, "table": table}

def reference(batch_ids, table):
    # nn.Embedding forward: row gather from the embedding table
    return jnp.take(table, batch_ids, axis=0)

if __name__ == "__main__":
    import jax
    _d = setup_inputs()
    print(jax.jit(kernel)(*tuple(_d.values())))

</pallas_src>

<mosaic_0001>
#map = affine_map<(d0, d1) -> (0)>
#map1 = affine_map<(d0, d1) -> (0, 0)>
#map2 = affine_map<(d0, d1) -> (0, 0, 0)>
module attributes {stable_mosaic.version = 14 : i64} {
  func.func @k(%arg0: i32, %arg1: i32, %arg2: memref<819200xi32, #tpu.memory_space<hbm>>, %arg3: memref<1000000x32xf32, #tpu.memory_space<hbm>>, %arg4: memref<16384x50x32xf32, #tpu.memory_space<hbm>>, %arg5: memref<1600xi32, #tpu.memory_space<vmem>>, %arg6: memref<1600xi32, #tpu.memory_space<vmem>>, %arg7: memref<1600x32xf32, #tpu.memory_space<vmem>>, %arg8: memref<1600x32xf32, #tpu.memory_space<vmem>>, %arg9: memref<!tpu.dma_semaphore, #tpu.memory_space<semaphore_mem>>, %arg10: memref<!tpu.dma_semaphore, #tpu.memory_space<semaphore_mem>>, %arg11: memref<!tpu.dma_semaphore, #tpu.memory_space<semaphore_mem>>, %arg12: memref<!tpu.dma_semaphore, #tpu.memory_space<semaphore_mem>>) attributes {dimension_semantics = [#tpu.dimension_semantics<core_parallel>, #tpu.dimension_semantics<subcore_parallel>], iteration_bounds = array<i64: 2, 16>, scalar_prefetch = 0 : i64, scratch_operands = 8 : i64, tpu.core_type = #tpu.core_type<sc_vector_subcore>, window_params = [{transform_indices = #map}, {transform_indices = #map1}, {transform_indices = #map2}]} {
    %mul3A = arith.constant 2 : i32
    %mul3A_0 = arith.muli %arg1, %mul3A : i32
    %add3A = arith.addi %mul3A_0, %arg0 : i32
    %mul3A_1 = arith.constant 512 : i32
    %mul3A_2 = arith.muli %add3A, %mul3A_1 : i32
    %mul3A_3 = arith.constant 50 : i32
    %mul3A_4 = arith.muli %mul3A_2, %mul3A_3 : i32
    "tpu.region"() ({
      %run_scoped3A = tpu.sem_alloc : memref<!tpu.dma_semaphore, #tpu.memory_space<semaphore_mem>>
      %dma_start3A_382 = tpu.memref_slice %arg2[%mul3A_4] : memref<819200xi32, #tpu.memory_space<hbm>> -> memref<1600xi32, #tpu.memory_space<hbm>>
      %dma_start3A_383 = tpu.memref_slice %arg2[%mul3A_4] : memref<819200xi32, #tpu.memory_space<hbm>> -> memref<1600xi32, #tpu.memory_space<hbm>>
      tpu.enqueue_dma source(%dma_start3A_383 : memref<1600xi32, #tpu.memory_space<hbm>>) target(%arg5 : memref<1600xi32, #tpu.memory_space<vmem>>) target_semaphore(%run_scoped3A : memref<!tpu.dma_semaphore, #tpu.memory_space<semaphore_mem>>)
      %dma_wait3A_384 = tpu.memref_slice %arg2[%mul3A_4] : memref<819200xi32, #tpu.memory_space<hbm>> -> memref<1600xi32, #tpu.memory_space<hbm>>
      %dma_wait3A_385 = tpu.memref_slice %arg2[%mul3A_4] : memref<819200xi32, #tpu.memory_space<hbm>> -> memref<1600xi32, #tpu.memory_space<hbm>>
      tpu.wait_dma2 semaphore(%run_scoped3A : memref<!tpu.dma_semaphore, #tpu.memory_space<semaphore_mem>>) src(%dma_wait3A_385 : memref<1600xi32, #tpu.memory_space<hbm>>) dst(%arg5 : memref<1600xi32, #tpu.memory_space<vmem>>)
      tpu.yield
    }) : () -> ()
    %dma_start3A = arith.constant 0 : i32
    %dma_start3A_5 = arith.constant 0 : i32
    %dma_start3A_6 = tpu.memref_slice %arg3[%dma_start3A, %dma_start3A_5] : memref<1000000x32xf32, #tpu.memory_space<hbm>> -> memref<1000000x32xf32, #tpu.memory_space<hbm>>
    tpu.enqueue_indirect_dma source(%dma_start3A_6 : memref<1000000x32xf32, #tpu.memory_space<hbm>>) target(%arg7 : memref<1600x32xf32, #tpu.memory_space<vmem>>) offsets(%arg5 : memref<1600xi32, #tpu.memory_space<vmem>>) semaphore(%arg9 : memref<!tpu.dma_semaphore, #tpu.memory_space<semaphore_mem>>)
    %add3A_7 = arith.constant 32 : i32
    %add3A_8 = arith.addi %mul3A_2, %add3A_7 : i32
    %mul3A_9 = arith.constant 50 : i32
    %mul3A_10 = arith.muli %add3A_8, %mul3A_9 : i32
    "tpu.region"() ({
      %run_scoped3A = tpu.sem_alloc : memref<!tpu.dma_semaphore, #tpu.memory_space<semaphore_mem>>
      %dma_start3A_382 = tpu.memref_slice %arg2[%mul3A_10] : memref<819200xi32, #tpu.memory_space<hbm>> -> memref<1600xi32, #tpu.memory_space<hbm>>
      %dma_start3A_383 = tpu.memref_slice %arg2[%mul3A_10] : memref<819200xi32, #tpu.memory_space<hbm>> -> memref<1600xi32, #tpu.memory_space<hbm>>
      tpu.enqueue_dma source(%dma_start3A_383 : memref<1600xi32, #tpu.memory_space<hbm>>) target(%arg6 : memref<1600xi32, #tpu.memory_space<vmem>>) target_semaphore(%run_scoped3A : memref<!tpu.dma_semaphore, #tpu.memory_space<semaphore_mem>>)
      %dma_wait3A_384 = tpu.memref_slice %arg2[%mul3A_10] : memref<819200xi32, #tpu.memory_space<hbm>> -> memref<1600xi32, #tpu.memory_space<hbm>>
      %dma_wait3A_385 = tpu.memref_slice %arg2[%mul3A_10] : memref<819200xi32, #tpu.memory_space<hbm>> -> memref<1600xi32, #tpu.memory_space<hbm>>
      tpu.wait_dma2 semaphore(%run_scoped3A : memref<!tpu.dma_semaphore, #tpu.memory_space<semaphore_mem>>) src(%dma_wait3A_385 : memref<1600xi32, #tpu.memory_space<hbm>>) dst(%arg6 : memref<1600xi32, #tpu.memory_space<vmem>>)
      tpu.yield
    }) : () -> ()
    %dma_start3A_11 = arith.constant 0 : i32
    %dma_start3A_12 = arith.constant 0 : i32
    %dma_start3A_13 = tpu.memref_slice %arg3[%dma_start3A_11, %dma_start3A_12] : memref<1000000x32xf32, #tpu.memory_space<hbm>> -> memref<1000000x32xf32, #tpu.memory_space<hbm>>
    tpu.enqueue_indirect_dma source(%dma_start3A_13 : memref<1000000x32xf32, #tpu.memory_space<hbm>>) target(%arg8 : memref<1600x32xf32, #tpu.memory_space<vmem>>) offsets(%arg6 : memref<1600xi32, #tpu.memory_space<vmem>>) semaphore(%arg10 : memref<!tpu.dma_semaphore, #tpu.memory_space<semaphore_mem>>)
    %dma_wait3A = arith.constant 0 : i32
    %dma_wait3A_14 = arith.constant 0 : i32
    %dma_wait3A_15 = tpu.memref_slice %arg3[%dma_wait3A, %dma_wait3A_14] : memref<1000000x32xf32, #tpu.memory_space<hbm>> -> memref<1000000x32xf32, #tpu.memory_space<hbm>>
    tpu.wait_indirect_dma semaphore(%arg9 : memref<!tpu.dma_semaphore, #tpu.memory_space<semaphore_mem>>) src(%dma_wait3A_15 : memref<1000000x32xf32, #tpu.memory_space<hbm>>) dst(%arg7 : memref<1600x32xf32, #tpu.memory_space<vmem>>)
    %add3A_16 = arith.constant 0 : i32
    %add3A_17 = arith.addi %mul3A_2, %add3A_16 : i32
    %scan3A = arith.constant 0 : i32
    %scan3A_18 = arith.constant 0 : i32
    %scan3A_19 = arith.constant 32 : i32
    %scan3A_20 = arith.addi %scan3A_18, %scan3A_19 : i32
    %scan3A_21 = arith.constant 1 : i32
    scf.for %scan3A_382 = %scan3A_18 to %scan3A_20 step %scan3A_21  : i32 {
      %mul3A_383 = arith.constant 50 : i32
      %mul3A_384 = arith.muli %scan3A_382, %mul3A_383 : i32
      %add3A_385 = arith.addi %add3A_17, %scan3A_382 : i32
      %dma_start3A_386 = arith.constant 0 : i32
      %dma_start3A_387 = tpu.memref_slice %arg7[%mul3A_384, %dma_start3A_386] : memref<1600x32xf32, #tpu.memory_space<vmem>> -> memref<50x32xf32, #tpu.memory_space<vmem>>
      %dma_start3A_388 = arith.constant 0 : i32
      %dma_start3A_389 = arith.constant 0 : i32
      %dma_start3A_390 = tpu.memref_slice %arg4[%add3A_385, %dma_start3A_388, %dma_start3A_389] : memref<16384x50x32xf32, #tpu.memory_space<hbm>> -> memref<1x50x32xf32, #tpu.memory_space<hbm>>
      %dma_start3A_391 = tpu.memref_squeeze %dma_start3A_390 : memref<1x50x32xf32, #tpu.memory_space<hbm>> -> memref<50x32xf32, #tpu.memory_space<hbm>>
      %dma_start3A_392 = arith.constant 0 : i32
      %dma_start3A_393 = arith.constant 0 : i32
      %dma_start3A_394 = tpu.memref_slice %arg4[%add3A_385, %dma_start3A_392, %dma_start3A_393] : memref<16384x50x32xf32, #tpu.memory_space<hbm>> -> memref<1x50x32xf32, #tpu.memory_space<hbm>>
      %dma_start3A_395 = tpu.memref_squeeze %dma_start3A_394 : memref<1x50x32xf32, #tpu.memory_space<hbm>> -> memref<50x32xf32, #tpu.memory_space<hbm>>
      %dma_start3A_396 = arith.constant 0 : i32
      %dma_start3A_397 = tpu.memref_slice %arg7[%mul3A_384, %dma_start3A_396] : memref<1600x32xf32, #tpu.memory_space<vmem>> -> memref<50x32xf32, #tpu.memory_space<vmem>>
      tpu.enqueue_dma source(%dma_start3A_397 : memref<50x32xf32, #tpu.memory_space<vmem>>) target(%dma_start3A_395 : memref<50x32xf32, #tpu.memory_space<hbm>>) target_semaphore(%arg11 : memref<!tpu.dma_semaphore, #tpu.memory_space<semaphore_mem>>)
    }
    %scan3A_22 = arith.constant 32 : i32
    %add3A_23 = arith.constant 64 : i32
    %add3A_24 = arith.addi %mul3A_2, %add3A_23 : i32
    %mul3A_25 = arith.constant 50 : i32
    %mul3A_26 = arith.muli %add3A_24, %mul3A_25 : i32
    "tpu.region"() ({
      %run_scoped3A = tpu.sem_alloc : memref<!tpu.dma_semaphore, #tpu.memory_space<semaphore_mem>>
      %dma_start3A_382 = tpu.memref_slice %arg2[%mul3A_26] : memref<819200xi32, #tpu.memory_space<hbm>> -> memref<1600xi32, #tpu.memory_space<hbm>>
      %dma_start3A_383 = tpu.memref_slice %arg2[%mul3A_26] : memref<819200xi32, #tpu.memory_space<hbm>> -> memref<1600xi32, #tpu.memory_space<hbm>>
      tpu.enqueue_dma source(%dma_start3A_383 : memref<1600xi32, #tpu.memory_space<hbm>>) target(%arg5 : memref<1600xi32, #tpu.memory_space<vmem>>) target_semaphore(%run_scoped3A : memref<!tpu.dma_semaphore, #tpu.memory_space<semaphore_mem>>)
      %dma_wait3A_384 = tpu.memref_slice %arg2[%mul3A_26] : memref<819200xi32, #tpu.memory_space<hbm>> -> memref<1600xi32, #tpu.memory_space<hbm>>
      %dma_wait3A_385 = tpu.memref_slice %arg2[%mul3A_26] : memref<819200xi32, #tpu.memory_space<hbm>> -> memref<1600xi32, #tpu.memory_space<hbm>>
      tpu.wait_dma2 semaphore(%run_scoped3A : memref<!tpu.dma_semaphore, #tpu.memory_space<semaphore_mem>>) src(%dma_wait3A_385 : memref<1600xi32, #tpu.memory_space<hbm>>) dst(%arg5 : memref<1600xi32, #tpu.memory_space<vmem>>)
      tpu.yield
    }) : () -> ()
    %dma_wait3A_27 = arith.constant 0 : i32
    %dma_wait3A_28 = arith.constant 0 : i32
    %dma_wait3A_29 = tpu.memref_slice %arg3[%dma_wait3A_27, %dma_wait3A_28] : memref<1000000x32xf32, #tpu.memory_space<hbm>> -> memref<1600x32xf32, #tpu.memory_space<hbm>>
    %dma_wait3A_30 = arith.constant 0 : i32
    %dma_wait3A_31 = arith.constant 0 : i32
    %dma_wait3A_32 = tpu.memref_slice %arg3[%dma_wait3A_30, %dma_wait3A_31] : memref<1000000x32xf32, #tpu.memory_space<hbm>> -> memref<1600x32xf32, #tpu.memory_space<hbm>>
    tpu.wait_dma2 semaphore(%arg11 : memref<!tpu.dma_semaphore, #tpu.memory_space<semaphore_mem>>) src(%dma_wait3A_32 : memref<1600x32xf32, #tpu.memory_space<hbm>>) dst(%arg7 : memref<1600x32xf32, #tpu.memory_space<vmem>>)
    %dma_start3A_33 = arith.constant 0 : i32
    %dma_start3A_34 = arith.constant 0 : i32
    %dma_start3A_35 = tpu.memref_slice %arg3[%dma_start3A_33, %dma_start3A_34] : memref<1000000x32xf32, #tpu.memory_space<hbm>> -> memref<1000000x32xf32, #tpu.memory_space<hbm>>
    tpu.enqueue_indirect_dma source(%dma_start3A_35 : memref<1000000x32xf32, #tpu.memory_space<hbm>>) target(%arg7 : memref<1600x32xf32, #tpu.memory_space<vmem>>) offsets(%arg5 : memref<1600xi32, #tpu.memory_space<vmem>>) semaphore(%arg9 : memref<!tpu.dma_semaphore, #tpu.memory_space<semaphore_mem>>)
    %dma_wait3A_36 = arith.constant 0 : i32
    %dma_wait3A_37 = arith.constant 0 : i32
    %dma_wait3A_38 = tpu.memref_slice %arg3[%dma_wait3A_36, %dma_wait3A_37] : memref<1000000x32xf32, #tpu.memory_space<hbm>> -> memref<1000000x32xf32, #tpu.memory_space<hbm>>
    tpu.wait_indirect_dma semaphore(%arg10 : memref<!tpu.dma_semaphore, #tpu.memory_space<semaphore_mem>>) src(%dma_wait3A_38 : memref<1000000x32xf32, #tpu.memory_space<hbm>>) dst(%arg8 : memref<1600x32xf32, #tpu.memory_space<vmem>>)
    %add3A_39 = arith.constant 32 : i32
    %add3A_40 = arith.addi %mul3A_2, %add3A_39 : i32
    %scan3A_41 = arith.constant 0 : i32
    %scan3A_42 = arith.constant 0 : i32
    %scan3A_43 = arith.constant 32 : i32
    %scan3A_44 = arith.addi %scan3A_42, %scan3A_43 : i32
    %scan3A_45 = arith.constant 1 : i32
    scf.for %scan3A_382 = %scan3A_42 to %scan3A_44 step %scan3A_45  : i32 {
      %mul3A_383 = arith.constant 50 : i32
      %mul3A_384 = arith.muli %scan3A_382, %mul3A_383 : i32
      %add3A_385 = arith.addi %add3A_40, %scan3A_382 : i32
      %dma_start3A_386 = arith.constant 0 : i32
      %dma_start3A_387 = tpu.memref_slice %arg8[%mul3A_384, %dma_start3A_386] : memref<1600x32xf32, #tpu.memory_space<vmem>> -> memref<50x32xf32, #tpu.memory_space<vmem>>
      %dma_start3A_388 = arith.constant 0 : i32
      %dma_start3A_389 = arith.constant 0 : i32
      %dma_start3A_390 = tpu.memref_slice %arg4[%add3A_385, %dma_start3A_388, %dma_start3A_389] : memref<16384x50x32xf32, #tpu.memory_space<hbm>> -> memref<1x50x32xf32, #tpu.memory_space<hbm>>
      %dma_start3A_391 = tpu.memref_squeeze %dma_start3A_390 : memref<1x50x32xf32, #tpu.memory_space<hbm>> -> memref<50x32xf32, #tpu.memory_space<hbm>>
      %dma_start3A_392 = arith.constant 0 : i32
      %dma_start3A_393 = arith.constant 0 : i32
      %dma_start3A_394 = tpu.memref_slice %arg4[%add3A_385, %dma_start3A_392, %dma_start3A_393] : memref<16384x50x32xf32, #tpu.memory_space<hbm>> -> memref<1x50x32xf32, #tpu.memory_space<hbm>>
      %dma_start3A_395 = tpu.memref_squeeze %dma_start3A_394 : memref<1x50x32xf32, #tpu.memory_space<hbm>> -> memref<50x32xf32, #tpu.memory_space<hbm>>
      %dma_start3A_396 = arith.constant 0 : i32
      %dma_start3A_397 = tpu.memref_slice %arg8[%mul3A_384, %dma_start3A_396] : memref<1600x32xf32, #tpu.memory_space<vmem>> -> memref<50x32xf32, #tpu.memory_space<vmem>>
      tpu.enqueue_dma source(%dma_start3A_397 : memref<50x32xf32, #tpu.memory_space<vmem>>) target(%dma_start3A_395 : memref<50x32xf32, #tpu.memory_space<hbm>>) target_semaphore(%arg12 : memref<!tpu.dma_semaphore, #tpu.memory_space<semaphore_mem>>)
    }
    %scan3A_46 = arith.constant 32 : i32
    %add3A_47 = arith.constant 96 : i32
    %add3A_48 = arith.addi %mul3A_2, %add3A_47 : i32
    %mul3A_49 = arith.constant 50 : i32
    %mul3A_50 = arith.muli %add3A_48, %mul3A_49 : i32
    "tpu.region"() ({
      %run_scoped3A = tpu.sem_alloc : memref<!tpu.dma_semaphore, #tpu.memory_space<semaphore_mem>>
      %dma_start3A_382 = tpu.memref_slice %arg2[%mul3A_50] : memref<819200xi32, #tpu.memory_space<hbm>> -> memref<1600xi32, #tpu.memory_space<hbm>>
      %dma_start3A_383 = tpu.memref_slice %arg2[%mul3A_50] : memref<819200xi32, #tpu.memory_space<hbm>> -> memref<1600xi32, #tpu.memory_space<hbm>>
      tpu.enqueue_dma source(%dma_start3A_383 : memref<1600xi32, #tpu.memory_space<hbm>>) target(%arg6 : memref<1600xi32, #tpu.memory_space<vmem>>) target_semaphore(%run_scoped3A : memref<!tpu.dma_semaphore, #tpu.memory_space<semaphore_mem>>)
      %dma_wait3A_384 = tpu.memref_slice %arg2[%mul3A_50] : memref<819200xi32, #tpu.memory_space<hbm>> -> memref<1600xi32, #tpu.memory_space<hbm>>
      %dma_wait3A_385 = tpu.memref_slice %arg2[%mul3A_50] : memref<819200xi32, #tpu.memory_space<hbm>> -> memref<1600xi32, #tpu.memory_space<hbm>>
      tpu.wait_dma2 semaphore(%run_scoped3A : memref<!tpu.dma_semaphore, #tpu.memory_space<semaphore_mem>>) src(%dma_wait3A_385 : memref<1600xi32, #tpu.memory_space<hbm>>) dst(%arg6 : memref<1600xi32, #tpu.memory_space<vmem>>)
      tpu.yield
    }) : () -> ()
    %dma_wait3A_51 = arith.constant 0 : i32
    %dma_wait3A_52 = arith.constant 0 : i32
    %dma_wait3A_53 = tpu.memref_slice %arg3[%dma_wait3A_51, %dma_wait3A_52] : memref<1000000x32xf32, #tpu.memory_space<hbm>> -> memref<1600x32xf32, #tpu.memory_space<hbm>>
    %dma_wait3A_54 = arith.constant 0 : i32
    %dma_wait3A_55 = arith.constant 0 : i32
    %dma_wait3A_56 = tpu.memref_slice %arg3[%dma_wait3A_54, %dma_wait3A_55] : memref<1000000x32xf32, #tpu.memory_space<hbm>> -> memref<1600x32xf32, #tpu.memory_space<hbm>>
    tpu.wait_dma2 semaphore(%arg12 : memref<!tpu.dma_semaphore, #tpu.memory_space<semaphore_mem>>) src(%dma_wait3A_56 : memref<1600x32xf32, #tpu.memory_space<hbm>>) dst(%arg8 : memref<1600x32xf32, #tpu.memory_space<vmem>>)
    %dma_start3A_57 = arith.constant 0 : i32
    %dma_start3A_58 = arith.constant 0 : i32
    %dma_start3A_59 = tpu.memref_slice %arg3[%dma_start3A_57, %dma_start3A_58] : memref<1000000x32xf32, #tpu.memory_space<hbm>> -> memref<1000000x32xf32, #tpu.memory_space<hbm>>
    tpu.enqueue_indirect_dma source(%dma_start3A_59 : memref<1000000x32xf32, #tpu.memory_space<hbm>>) target(%arg8 : memref<1600x32xf32, #tpu.memory_space<vmem>>) offsets(%arg6 : memref<1600xi32, #tpu.memory_space<vmem>>) semaphore(%arg10 : memref<!tpu.dma_semaphore, #tpu.memory_space<semaphore_mem>>)
    %dma_wait3A_60 = arith.constant 0 : i32
    %dma_wait3A_61 = arith.constant 0 : i32
    %dma_wait3A_62 = tpu.memref_slice %arg3[%dma_wait3A_60, %dma_wait3A_61] : memref<1000000x32xf32, #tpu.memory_space<hbm>> -> memref<1000000x32xf32, #tpu.memory_space<hbm>>
    tpu.wait_indirect_dma semaphore(%arg9 : memref<!tpu.dma_semaphore, #tpu.memory_space<semaphore_mem>>) src(%dma_wait3A_62 : memref<1000000x32xf32, #tpu.memory_space<hbm>>) dst(%arg7 : memref<1600x32xf32, #tpu.memory_space<vmem>>)
    %add3A_63 = arith.constant 64 : i32
    %add3A_64 = arith.addi %mul3A_2, %add3A_63 : i32
    %scan3A_65 = arith.constant 0 : i32
    %scan3A_66 = arith.constant 0 : i32
    %scan3A_67 = arith.constant 32 : i32
    %scan3A_68 = arith.addi %scan3A_66, %scan3A_67 : i32
    %scan3A_69 = arith.constant 1 : i32
    scf.for %scan3A_382 = %scan3A_66 to %scan3A_68 step %scan3A_69  : i32 {
      %mul3A_383 = arith.constant 50 : i32
      %mul3A_384 = arith.muli %scan3A_382, %mul3A_383 : i32
      %add3A_385 = arith.addi %add3A_64, %scan3A_382 : i32
      %dma_start3A_386 = arith.constant 0 : i32
      %dma_start3A_387 = tpu.memref_slice %arg7[%mul3A_384, %dma_start3A_386] : memref<1600x32xf32, #tpu.memory_space<vmem>> -> memref<50x32xf32, #tpu.memory_space<vmem>>
      %dma_start3A_388 = arith.constant 0 : i32
      %dma_start3A_389 = arith.constant 0 : i32
      %dma_start3A_390 = tpu.memref_slice %arg4[%add3A_385, %dma_start3A_388, %dma_start3A_389] : memref<16384x50x32xf32, #tpu.memory_space<hbm>> -> memref<1x50x32xf32, #tpu.memory_space<hbm>>
      %dma_start3A_391 = tpu.memref_squeeze %dma_start3A_390 : memref<1x50x32xf32, #tpu.memory_space<hbm>> -> memref<50x32xf32, #tpu.memory_space<hbm>>
      %dma_start3A_392 = arith.constant 0 : i32
      %dma_start3A_393 = arith.constant 0 : i32
      %dma_start3A_394 = tpu.memref_slice %arg4[%add3A_385, %dma_start3A_392, %dma_start3A_393] : memref<16384x50x32xf32, #tpu.memory_space<hbm>> -> memref<1x50x32xf32, #tpu.memory_space<hbm>>
      %dma_start3A_395 = tpu.memref_squeeze %dma_start3A_394 : memref<1x50x32xf32, #tpu.memory_space<hbm>> -> memref<50x32xf32, #tpu.memory_space<hbm>>
      %dma_start3A_396 = arith.constant 0 : i32
      %dma_start3A_397 = tpu.memref_slice %arg7[%mul3A_384, %dma_start3A_396] : memref<1600x32xf32, #tpu.memory_space<vmem>> -> memref<50x32xf32, #tpu.memory_space<vmem>>
      tpu.enqueue_dma source(%dma_start3A_397 : memref<50x32xf32, #tpu.memory_space<vmem>>) target(%dma_start3A_395 : memref<50x32xf32, #tpu.memory_space<hbm>>) target_semaphore(%arg11 : memref<!tpu.dma_semaphore, #tpu.memory_space<semaphore_mem>>)
    }
    %scan3A_70 = arith.constant 32 : i32
    %add3A_71 = arith.constant 128 : i32
    %add3A_72 = arith.addi %mul3A_2, %add3A_71 : i32
    %mul3A_73 = arith.constant 50 : i32
    %mul3A_74 = arith.muli %add3A_72, %mul3A_73 : i32
    "tpu.region"() ({
      %run_scoped3A = tpu.sem_alloc : memref<!tpu.dma_semaphore, #tpu.memory_space<semaphore_mem>>
      %dma_start3A_382 = tpu.memref_slice %arg2[%mul3A_74] : memref<819200xi32, #tpu.memory_space<hbm>> -> memref<1600xi32, #tpu.memory_space<hbm>>
      %dma_start3A_383 = tpu.memref_slice %arg2[%mul3A_74] : memref<819200xi32, #tpu.memory_space<hbm>> -> memref<1600xi32, #tpu.memory_space<hbm>>
      tpu.enqueue_dma source(%dma_start3A_383 : memref<1600xi32, #tpu.memory_space<hbm>>) target(%arg5 : memref<1600xi32, #tpu.memory_space<vmem>>) target_semaphore(%run_scoped3A : memref<!tpu.dma_semaphore, #tpu.memory_space<semaphore_mem>>)
      %dma_wait3A_384 = tpu.memref_slice %arg2[%mul3A_74] : memref<819200xi32, #tpu.memory_space<hbm>> -> memref<1600xi32, #tpu.memory_space<hbm>>
      %dma_wait3A_385 = tpu.memref_slice %arg2[%mul3A_74] : memref<819200xi32, #tpu.memory_space<hbm>> -> memref<1600xi32, #tpu.memory_space<hbm>>
      tpu.wait_dma2 semaphore(%run_scoped3A : memref<!tpu.dma_semaphore, #tpu.memory_space<semaphore_mem>>) src(%dma_wait3A_385 : memref<1600xi32, #tpu.memory_space<hbm>>) dst(%arg5 : memref<1600xi32, #tpu.memory_space<vmem>>)
      tpu.yield
    }) : () -> ()
    %dma_wait3A_75 = arith.constant 0 : i32
    %dma_wait3A_76 = arith.constant 0 : i32
    %dma_wait3A_77 = tpu.memref_slice %arg3[%dma_wait3A_75, %dma_wait3A_76] : memref<1000000x32xf32, #tpu.memory_space<hbm>> -> memref<1600x32xf32, #tpu.memory_space<hbm>>
    %dma_wait3A_78 = arith.constant 0 : i32
    %dma_wait3A_79 = arith.constant 0 : i32
    %dma_wait3A_80 = tpu.memref_slice %arg3[%dma_wait3A_78, %dma_wait3A_79] : memref<1000000x32xf32, #tpu.memory_space<hbm>> -> memref<1600x32xf32, #tpu.memory_space<hbm>>
    tpu.wait_dma2 semaphore(%arg11 : memref<!tpu.dma_semaphore, #tpu.memory_space<semaphore_mem>>) src(%dma_wait3A_80 : memref<1600x32xf32, #tpu.memory_space<hbm>>) dst(%arg7 : memref<1600x32xf32, #tpu.memory_space<vmem>>)
    %dma_start3A_81 = arith.constant 0 : i32
    %dma_start3A_82 = arith.constant 0 : i32
    %dma_start3A_83 = tpu.memref_slice %arg3[%dma_start3A_81, %dma_start3A_82] : memref<1000000x32xf32, #tpu.memory_space<hbm>> -> memref<1000000x32xf32, #tpu.memory_space<hbm>>
    tpu.enqueue_indirect_dma source(%dma_start3A_83 : memref<1000000x32xf32, #tpu.memory_space<hbm>>) target(%arg7 : memref<1600x32xf32, #tpu.memory_space<vmem>>) offsets(%arg5 : memref<1600xi32, #tpu.memory_space<vmem>>) semaphore(%arg9 : memref<!tpu.dma_semaphore, #tpu.memory_space<semaphore_mem>>)
    %dma_wait3A_84 = arith.constant 0 : i32
    %dma_wait3A_85 = arith.constant 0 : i32
    %dma_wait3A_86 = tpu.memref_slice %arg3[%dma_wait3A_84, %dma_wait3A_85] : memref<1000000x32xf32, #tpu.memory_space<hbm>> -> memref<1000000x32xf32, #tpu.memory_space<hbm>>
    tpu.wait_indirect_dma semaphore(%arg10 : memref<!tpu.dma_semaphore, #tpu.memory_space<semaphore_mem>>) src(%dma_wait3A_86 : memref<1000000x32xf32, #tpu.memory_space<hbm>>) dst(%arg8 : memref<1600x32xf32, #tpu.memory_space<vmem>>)
    %add3A_87 = arith.constant 96 : i32
    %add3A_88 = arith.addi %mul3A_2, %add3A_87 : i32
    %scan3A_89 = arith.constant 0 : i32
    %scan3A_90 = arith.constant 0 : i32
    %scan3A_91 = arith.constant 32 : i32
    %scan3A_92 = arith.addi %scan3A_90, %scan3A_91 : i32
    %scan3A_93 = arith.constant 1 : i32
    scf.for %scan3A_382 = %scan3A_90 to %scan3A_92 step %scan3A_93  : i32 {
      %mul3A_383 = arith.constant 50 : i32
      %mul3A_384 = arith.muli %scan3A_382, %mul3A_383 : i32
      %add3A_385 = arith.addi %add3A_88, %scan3A_382 : i32
      %dma_start3A_386 = arith.constant 0 : i32
      %dma_start3A_387 = tpu.memref_slice %arg8[%mul3A_384, %dma_start3A_386] : memref<1600x32xf32, #tpu.memory_space<vmem>> -> memref<50x32xf32, #tpu.memory_space<vmem>>
      %dma_start3A_388 = arith.constant 0 : i32
      %dma_start3A_389 = arith.constant 0 : i32
      %dma_start3A_390 = tpu.memref_slice %arg4[%add3A_385, %dma_start3A_388, %dma_start3A_389] : memref<16384x50x32xf32, #tpu.memory_space<hbm>> -> memref<1x50x32xf32, #tpu.memory_space<hbm>>
      %dma_start3A_391 = tpu.memref_squeeze %dma_start3A_390 : memref<1x50x32xf32, #tpu.memory_space<hbm>> -> memref<50x32xf32, #tpu.memory_space<hbm>>
      %dma_start3A_392 = arith.constant 0 : i32
      %dma_start3A_393 = arith.constant 0 : i32
      %dma_start3A_394 = tpu.memref_slice %arg4[%add3A_385, %dma_start3A_392, %dma_start3A_393] : memref<16384x50x32xf32, #tpu.memory_space<hbm>> -> memref<1x50x32xf32, #tpu.memory_space<hbm>>
      %dma_start3A_395 = tpu.memref_squeeze %dma_start3A_394 : memref<1x50x32xf32, #tpu.memory_space<hbm>> -> memref<50x32xf32, #tpu.memory_space<hbm>>
      %dma_start3A_396 = arith.constant 0 : i32
      %dma_start3A_397 = tpu.memref_slice %arg8[%mul3A_384, %dma_start3A_396] : memref<1600x32xf32, #tpu.memory_space<vmem>> -> memref<50x32xf32, #tpu.memory_space<vmem>>
      tpu.enqueue_dma source(%dma_start3A_397 : memref<50x32xf32, #tpu.memory_space<vmem>>) target(%dma_start3A_395 : memref<50x32xf32, #tpu.memory_space<hbm>>) target_semaphore(%arg12 : memref<!tpu.dma_semaphore, #tpu.memory_space<semaphore_mem>>)
    }
    %scan3A_94 = arith.constant 32 : i32
    %add3A_95 = arith.constant 160 : i32
    %add3A_96 = arith.addi %mul3A_2, %add3A_95 : i32
    %mul3A_97 = arith.constant 50 : i32
    %mul3A_98 = arith.muli %add3A_96, %mul3A_97 : i32
    "tpu.region"() ({
      %run_scoped3A = tpu.sem_alloc : memref<!tpu.dma_semaphore, #tpu.memory_space<semaphore_mem>>
      %dma_start3A_382 = tpu.memref_slice %arg2[%mul3A_98] : memref<819200xi32, #tpu.memory_space<hbm>> -> memref<1600xi32, #tpu.memory_space<hbm>>
      %dma_start3A_383 = tpu.memref_slice %arg2[%mul3A_98] : memref<819200xi32, #tpu.memory_space<hbm>> -> memref<1600xi32, #tpu.memory_space<hbm>>
      tpu.enqueue_dma source(%dma_start3A_383 : memref<1600xi32, #tpu.memory_space<hbm>>) target(%arg6 : memref<1600xi32, #tpu.memory_space<vmem>>) target_semaphore(%run_scoped3A : memref<!tpu.dma_semaphore, #tpu.memory_space<semaphore_mem>>)
      %dma_wait3A_384 = tpu.memref_slice %arg2[%mul3A_98] : memref<819200xi32, #tpu.memory_space<hbm>> -> memref<1600xi32, #tpu.memory_space<hbm>>
      %dma_wait3A_385 = tpu.memref_slice %arg2[%mul3A_98] : memref<819200xi32, #tpu.memory_space<hbm>> -> memref<1600xi32, #tpu.memory_space<hbm>>
      tpu.wait_dma2 semaphore(%run_scoped3A : memref<!tpu.dma_semaphore, #tpu.memory_space<semaphore_mem>>) src(%dma_wait3A_385 : memref<1600xi32, #tpu.memory_space<hbm>>) dst(%arg6 : memref<1600xi32, #tpu.memory_space<vmem>>)
      tpu.yield
    }) : () -> ()
    %dma_wait3A_99 = arith.constant 0 : i32
    %dma_wait3A_100 = arith.constant 0 : i32
    %dma_wait3A_101 = tpu.memref_slice %arg3[%dma_wait3A_99, %dma_wait3A_100] : memref<1000000x32xf32, #tpu.memory_space<hbm>> -> memref<1600x32xf32, #tpu.memory_space<hbm>>
    %dma_wait3A_102 = arith.constant 0 : i32
    %dma_wait3A_103 = arith.constant 0 : i32
    %dma_wait3A_104 = tpu.memref_slice %arg3[%dma_wait3A_102, %dma_wait3A_103] : memref<1000000x32xf32, #tpu.memory_space<hbm>> -> memref<1600x32xf32, #tpu.memory_space<hbm>>
    tpu.wait_dma2 semaphore(%arg12 : memref<!tpu.dma_semaphore, #tpu.memory_space<semaphore_mem>>) src(%dma_wait3A_104 : memref<1600x32xf32, #tpu.memory_space<hbm>>) dst(%arg8 : memref<1600x32xf32, #tpu.memory_space<vmem>>)
    %dma_start3A_105 = arith.constant 0 : i32
    %dma_start3A_106 = arith.constant 0 : i32
    %dma_start3A_107 = tpu.memref_slice %arg3[%dma_start3A_105, %dma_start3A_106] : memref<1000000x32xf32, #tpu.memory_space<hbm>> -> memref<1000000x32xf32, #tpu.memory_space<hbm>>
    tpu.enqueue_indirect_dma source(%dma_start3A_107 : memref<1000000x32xf32, #tpu.memory_space<hbm>>) target(%arg8 : memref<1600x32xf32, #tpu.memory_space<vmem>>) offsets(%arg6 : memref<1600xi32, #tpu.memory_space<vmem>>) semaphore(%arg10 : memref<!tpu.dma_semaphore, #tpu.memory_space<semaphore_mem>>)
    %dma_wait3A_108 = arith.constant 0 : i32
    %dma_wait3A_109 = arith.constant 0 : i32
    %dma_wait3A_110 = tpu.memref_slice %arg3[%dma_wait3A_108, %dma_wait3A_109] : memref<1000000x32xf32, #tpu.memory_space<hbm>> -> memref<1000000x32xf32, #tpu.memory_space<hbm>>
    tpu.wait_indirect_dma semaphore(%arg9 : memref<!tpu.dma_semaphore, #tpu.memory_space<semaphore_mem>>) src(%dma_wait3A_110 : memref<1000000x32xf32, #tpu.memory_space<hbm>>) dst(%arg7 : memref<1600x32xf32, #tpu.memory_space<vmem>>)
    %add3A_111 = arith.constant 128 : i32
    %add3A_112 = arith.addi %mul3A_2, %add3A_111 : i32
    %scan3A_113 = arith.constant 0 : i32
    %scan3A_114 = arith.constant 0 : i32
    %scan3A_115 = arith.constant 32 : i32
    %scan3A_116 = arith.addi %scan3A_114, %scan3A_115 : i32
    %scan3A_117 = arith.constant 1 : i32
    scf.for %scan3A_382 = %scan3A_114 to %scan3A_116 step %scan3A_117  : i32 {
      %mul3A_383 = arith.constant 50 : i32
      %mul3A_384 = arith.muli %scan3A_382, %mul3A_383 : i32
      %add3A_385 = arith.addi %add3A_112, %scan3A_382 : i32
      %dma_start3A_386 = arith.constant 0 : i32
      %dma_start3A_387 = tpu.memref_slice %arg7[%mul3A_384, %dma_start3A_386] : memref<1600x32xf32, #tpu.memory_space<vmem>> -> memref<50x32xf32, #tpu.memory_space<vmem>>
      %dma_start3A_388 = arith.constant 0 : i32
      %dma_start3A_389 = arith.constant 0 : i32
      %dma_start3A_390 = tpu.memref_slice %arg4[%add3A_385, %dma_start3A_388, %dma_start3A_389] : memref<16384x50x32xf32, #tpu.memory_space<hbm>> -> memref<1x50x32xf32, #tpu.memory_space<hbm>>
      %dma_start3A_391 = tpu.memref_squeeze %dma_start3A_390 : memref<1x50x32xf32, #tpu.memory_space<hbm>> -> memref<50x32xf32, #tpu.memory_space<hbm>>
      %dma_start3A_392 = arith.constant 0 : i32
      %dma_start3A_393 = arith.constant 0 : i32
      %dma_start3A_394 = tpu.memref_slice %arg4[%add3A_385, %dma_start3A_392, %dma_start3A_393] : memref<16384x50x32xf32, #tpu.memory_space<hbm>> -> memref<1x50x32xf32, #tpu.memory_space<hbm>>
      %dma_start3A_395 = tpu.memref_squeeze %dma_start3A_394 : memref<1x50x32xf32, #tpu.memory_space<hbm>> -> memref<50x32xf32, #tpu.memory_space<hbm>>
      %dma_start3A_396 = arith.constant 0 : i32
      %dma_start3A_397 = tpu.memref_slice %arg7[%mul3A_384, %dma_start3A_396] : memref<1600x32xf32, #tpu.memory_space<vmem>> -> memref<50x32xf32, #tpu.memory_space<vmem>>
      tpu.enqueue_dma source(%dma_start3A_397 : memref<50x32xf32, #tpu.memory_space<vmem>>) target(%dma_start3A_395 : memref<50x32xf32, #tpu.memory_space<hbm>>) target_semaphore(%arg11 : memref<!tpu.dma_semaphore, #tpu.memory_space<semaphore_mem>>)
    }
    %scan3A_118 = arith.constant 32 : i32
    %add3A_119 = arith.constant 192 : i32
    %add3A_120 = arith.addi %mul3A_2, %add3A_119 : i32
    %mul3A_121 = arith.constant 50 : i32
    %mul3A_122 = arith.muli %add3A_120, %mul3A_121 : i32
    "tpu.region"() ({
      %run_scoped3A = tpu.sem_alloc : memref<!tpu.dma_semaphore, #tpu.memory_space<semaphore_mem>>
      %dma_start3A_382 = tpu.memref_slice %arg2[%mul3A_122] : memref<819200xi32, #tpu.memory_space<hbm>> -> memref<1600xi32, #tpu.memory_space<hbm>>
      %dma_start3A_383 = tpu.memref_slice %arg2[%mul3A_122] : memref<819200xi32, #tpu.memory_space<hbm>> -> memref<1600xi32, #tpu.memory_space<hbm>>
      tpu.enqueue_dma source(%dma_start3A_383 : memref<1600xi32, #tpu.memory_space<hbm>>) target(%arg5 : memref<1600xi32, #tpu.memory_space<vmem>>) target_semaphore(%run_scoped3A : memref<!tpu.dma_semaphore, #tpu.memory_space<semaphore_mem>>)
      %dma_wait3A_384 = tpu.memref_slice %arg2[%mul3A_122] : memref<819200xi32, #tpu.memory_space<hbm>> -> memref<1600xi32, #tpu.memory_space<hbm>>
      %dma_wait3A_385 = tpu.memref_slice %arg2[%mul3A_122] : memref<819200xi32, #tpu.memory_space<hbm>> -> memref<1600xi32, #tpu.memory_space<hbm>>
      tpu.wait_dma2 semaphore(%run_scoped3A : memref<!tpu.dma_semaphore, #tpu.memory_space<semaphore_mem>>) src(%dma_wait3A_385 : memref<1600xi32, #tpu.memory_space<hbm>>) dst(%arg5 : memref<1600xi32, #tpu.memory_space<vmem>>)
      tpu.yield
    }) : () -> ()
    %dma_wait3A_123 = arith.constant 0 : i32
    %dma_wait3A_124 = arith.constant 0 : i32
    %dma_wait3A_125 = tpu.memref_slice %arg3[%dma_wait3A_123, %dma_wait3A_124] : memref<1000000x32xf32, #tpu.memory_space<hbm>> -> memref<1600x32xf32, #tpu.memory_space<hbm>>
    %dma_wait3A_126 = arith.constant 0 : i32
    %dma_wait3A_127 = arith.constant 0 : i32
    %dma_wait3A_128 = tpu.memref_slice %arg3[%dma_wait3A_126, %dma_wait3A_127] : memref<1000000x32xf32, #tpu.memory_space<hbm>> -> memref<1600x32xf32, #tpu.memory_space<hbm>>
    tpu.wait_dma2 semaphore(%arg11 : memref<!tpu.dma_semaphore, #tpu.memory_space<semaphore_mem>>) src(%dma_wait3A_128 : memref<1600x32xf32, #tpu.memory_space<hbm>>) dst(%arg7 : memref<1600x32xf32, #tpu.memory_space<vmem>>)
    %dma_start3A_129 = arith.constant 0 : i32
    %dma_start3A_130 = arith.constant 0 : i32
    %dma_start3A_131 = tpu.memref_slice %arg3[%dma_start3A_129, %dma_start3A_130] : memref<1000000x32xf32, #tpu.memory_space<hbm>> -> memref<1000000x32xf32, #tpu.memory_space<hbm>>
    tpu.enqueue_indirect_dma source(%dma_start3A_131 : memref<1000000x32xf32, #tpu.memory_space<hbm>>) target(%arg7 : memref<1600x32xf32, #tpu.memory_space<vmem>>) offsets(%arg5 : memref<1600xi32, #tpu.memory_space<vmem>>) semaphore(%arg9 : memref<!tpu.dma_semaphore, #tpu.memory_space<semaphore_mem>>)
    %dma_wait3A_132 = arith.constant 0 : i32
    %dma_wait3A_133 = arith.constant 0 : i32
    %dma_wait3A_134 = tpu.memref_slice %arg3[%dma_wait3A_132, %dma_wait3A_133] : memref<1000000x32xf32, #tpu.memory_space<hbm>> -> memref<1000000x32xf32, #tpu.memory_space<hbm>>
    tpu.wait_indirect_dma semaphore(%arg10 : memref<!tpu.dma_semaphore, #tpu.memory_space<semaphore_mem>>) src(%dma_wait3A_134 : memref<1000000x32xf32, #tpu.memory_space<hbm>>) dst(%arg8 : memref<1600x32xf32, #tpu.memory_space<vmem>>)
    %add3A_135 = arith.constant 160 : i32
    %add3A_136 = arith.addi %mul3A_2, %add3A_135 : i32
    %scan3A_137 = arith.constant 0 : i32
    %scan3A_138 = arith.constant 0 : i32
    %scan3A_139 = arith.constant 32 : i32
    %scan3A_140 = arith.addi %scan3A_138, %scan3A_139 : i32
    %scan3A_141 = arith.constant 1 : i32
    scf.for %scan3A_382 = %scan3A_138 to %scan3A_140 step %scan3A_141  : i32 {
      %mul3A_383 = arith.constant 50 : i32
      %mul3A_384 = arith.muli %scan3A_382, %mul3A_383 : i32
      %add3A_385 = arith.addi %add3A_136, %scan3A_382 : i32
      %dma_start3A_386 = arith.constant 0 : i32
      %dma_start3A_387 = tpu.memref_slice %arg8[%mul3A_384, %dma_start3A_386] : memref<1600x32xf32, #tpu.memory_space<vmem>> -> memref<50x32xf32, #tpu.memory_space<vmem>>
      %dma_start3A_388 = arith.constant 0 : i32
      %dma_start3A_389 = arith.constant 0 : i32
      %dma_start3A_390 = tpu.memref_slice %arg4[%add3A_385, %dma_start3A_388, %dma_start3A_389] : memref<16384x50x32xf32, #tpu.memory_space<hbm>> -> memref<1x50x32xf32, #tpu.memory_space<hbm>>
      %dma_start3A_391 = tpu.memref_squeeze %dma_start3A_390 : memref<1x50x32xf32, #tpu.memory_space<hbm>> -> memref<50x32xf32, #tpu.memory_space<hbm>>
      %dma_start3A_392 = arith.constant 0 : i32
      %dma_start3A_393 = arith.constant 0 : i32
      %dma_start3A_394 = tpu.memref_slice %arg4[%add3A_385, %dma_start3A_392, %dma_start3A_393] : memref<16384x50x32xf32, #tpu.memory_space<hbm>> -> memref<1x50x32xf32, #tpu.memory_space<hbm>>
      %dma_start3A_395 = tpu.memref_squeeze %dma_start3A_394 : memref<1x50x32xf32, #tpu.memory_space<hbm>> -> memref<50x32xf32, #tpu.memory_space<hbm>>
      %dma_start3A_396 = arith.constant 0 : i32
      %dma_start3A_397 = tpu.memref_slice %arg8[%mul3A_384, %dma_start3A_396] : memref<1600x32xf32, #tpu.memory_space<vmem>> -> memref<50x32xf32, #tpu.memory_space<vmem>>
      tpu.enqueue_dma source(%dma_start3A_397 : memref<50x32xf32, #tpu.memory_space<vmem>>) target(%dma_start3A_395 : memref<50x32xf32, #tpu.memory_space<hbm>>) target_semaphore(%arg12 : memref<!tpu.dma_semaphore, #tpu.memory_space<semaphore_mem>>)
    }
    %scan3A_142 = arith.constant 32 : i32
    %add3A_143 = arith.constant 224 : i32
    %add3A_144 = arith.addi %mul3A_2, %add3A_143 : i32
    %mul3A_145 = arith.constant 50 : i32
    %mul3A_146 = arith.muli %add3A_144, %mul3A_145 : i32
    "tpu.region"() ({
      %run_scoped3A = tpu.sem_alloc : memref<!tpu.dma_semaphore, #tpu.memory_space<semaphore_mem>>
      %dma_start3A_382 = tpu.memref_slice %arg2[%mul3A_146] : memref<819200xi32, #tpu.memory_space<hbm>> -> memref<1600xi32, #tpu.memory_space<hbm>>
      %dma_start3A_383 = tpu.memref_slice %arg2[%mul3A_146] : memref<819200xi32, #tpu.memory_space<hbm>> -> memref<1600xi32, #tpu.memory_space<hbm>>
      tpu.enqueue_dma source(%dma_start3A_383 : memref<1600xi32, #tpu.memory_space<hbm>>) target(%arg6 : memref<1600xi32, #tpu.memory_space<vmem>>) target_semaphore(%run_scoped3A : memref<!tpu.dma_semaphore, #tpu.memory_space<semaphore_mem>>)
      %dma_wait3A_384 = tpu.memref_slice %arg2[%mul3A_146] : memref<819200xi32, #tpu.memory_space<hbm>> -> memref<1600xi32, #tpu.memory_space<hbm>>
      %dma_wait3A_385 = tpu.memref_slice %arg2[%mul3A_146] : memref<819200xi32, #tpu.memory_space<hbm>> -> memref<1600xi32, #tpu.memory_space<hbm>>
      tpu.wait_dma2 semaphore(%run_scoped3A : memref<!tpu.dma_semaphore, #tpu.memory_space<semaphore_mem>>) src(%dma_wait3A_385 : memref<1600xi32, #tpu.memory_space<hbm>>) dst(%arg6 : memref<1600xi32, #tpu.memory_space<vmem>>)
      tpu.yield
    }) : () -> ()
    %dma_wait3A_147 = arith.constant 0 : i32
    %dma_wait3A_148 = arith.constant 0 : i32
    %dma_wait3A_149 = tpu.memref_slice %arg3[%dma_wait3A_147, %dma_wait3A_148] : memref<1000000x32xf32, #tpu.memory_space<hbm>> -> memref<1600x32xf32, #tpu.memory_space<hbm>>
    %dma_wait3A_150 = arith.constant 0 : i32
    %dma_wait3A_151 = arith.constant 0 : i32
    %dma_wait3A_152 = tpu.memref_slice %arg3[%dma_wait3A_150, %dma_wait3A_151] : memref<1000000x32xf32, #tpu.memory_space<hbm>> -> memref<1600x32xf32, #tpu.memory_space<hbm>>
    tpu.wait_dma2 semaphore(%arg12 : memref<!tpu.dma_semaphore, #tpu.memory_space<semaphore_mem>>) src(%dma_wait3A_152 : memref<1600x32xf32, #tpu.memory_space<hbm>>) dst(%arg8 : memref<1600x32xf32, #tpu.memory_space<vmem>>)
    %dma_start3A_153 = arith.constant 0 : i32
    %dma_start3A_154 = arith.constant 0 : i32
    %dma_start3A_155 = tpu.memref_slice %arg3[%dma_start3A_153, %dma_start3A_154] : memref<1000000x32xf32, #tpu.memory_space<hbm>> -> memref<1000000x32xf32, #tpu.memory_space<hbm>>
    tpu.enqueue_indirect_dma source(%dma_start3A_155 : memref<1000000x32xf32, #tpu.memory_space<hbm>>) target(%arg8 : memref<1600x32xf32, #tpu.memory_space<vmem>>) offsets(%arg6 : memref<1600xi32, #tpu.memory_space<vmem>>) semaphore(%arg10 : memref<!tpu.dma_semaphore, #tpu.memory_space<semaphore_mem>>)
    %dma_wait3A_156 = arith.constant 0 : i32
    %dma_wait3A_157 = arith.constant 0 : i32
    %dma_wait3A_158 = tpu.memref_slice %arg3[%dma_wait3A_156, %dma_wait3A_157] : memref<1000000x32xf32, #tpu.memory_space<hbm>> -> memref<1000000x32xf32, #tpu.memory_space<hbm>>
    tpu.wait_indirect_dma semaphore(%arg9 : memref<!tpu.dma_semaphore, #tpu.memory_space<semaphore_mem>>) src(%dma_wait3A_158 : memref<1000000x32xf32, #tpu.memory_space<hbm>>) dst(%arg7 : memref<1600x32xf32, #tpu.memory_space<vmem>>)
    %add3A_159 = arith.constant 192 : i32
    %add3A_160 = arith.addi %mul3A_2, %add3A_159 : i32
    %scan3A_161 = arith.constant 0 : i32
    %scan3A_162 = arith.constant 0 : i32
    %scan3A_163 = arith.constant 32 : i32
    %scan3A_164 = arith.addi %scan3A_162, %scan3A_163 : i32
    %scan3A_165 = arith.constant 1 : i32
    scf.for %scan3A_382 = %scan3A_162 to %scan3A_164 step %scan3A_165  : i32 {
      %mul3A_383 = arith.constant 50 : i32
      %mul3A_384 = arith.muli %scan3A_382, %mul3A_383 : i32
      %add3A_385 = arith.addi %add3A_160, %scan3A_382 : i32
      %dma_start3A_386 = arith.constant 0 : i32
      %dma_start3A_387 = tpu.memref_slice %arg7[%mul3A_384, %dma_start3A_386] : memref<1600x32xf32, #tpu.memory_space<vmem>> -> memref<50x32xf32, #tpu.memory_space<vmem>>
      %dma_start3A_388 = arith.constant 0 : i32
      %dma_start3A_389 = arith.constant 0 : i32
      %dma_start3A_390 = tpu.memref_slice %arg4[%add3A_385, %dma_start3A_388, %dma_start3A_389] : memref<16384x50x32xf32, #tpu.memory_space<hbm>> -> memref<1x50x32xf32, #tpu.memory_space<hbm>>
      %dma_start3A_391 = tpu.memref_squeeze %dma_start3A_390 : memref<1x50x32xf32, #tpu.memory_space<hbm>> -> memref<50x32xf32, #tpu.memory_space<hbm>>
      %dma_start3A_392 = arith.constant 0 : i32
      %dma_start3A_393 = arith.constant 0 : i32
      %dma_start3A_394 = tpu.memref_slice %arg4[%add3A_385, %dma_start3A_392, %dma_start3A_393] : memref<16384x50x32xf32, #tpu.memory_space<hbm>> -> memref<1x50x32xf32, #tpu.memory_space<hbm>>
      %dma_start3A_395 = tpu.memref_squeeze %dma_start3A_394 : memref<1x50x32xf32, #tpu.memory_space<hbm>> -> memref<50x32xf32, #tpu.memory_space<hbm>>
      %dma_start3A_396 = arith.constant 0 : i32
      %dma_start3A_397 = tpu.memref_slice %arg7[%mul3A_384, %dma_start3A_396] : memref<1600x32xf32, #tpu.memory_space<vmem>> -> memref<50x32xf32, #tpu.memory_space<vmem>>
      tpu.enqueue_dma source(%dma_start3A_397 : memref<50x32xf32, #tpu.memory_space<vmem>>) target(%dma_start3A_395 : memref<50x32xf32, #tpu.memory_space<hbm>>) target_semaphore(%arg11 : memref<!tpu.dma_semaphore, #tpu.memory_space<semaphore_mem>>)
    }
    %scan3A_166 = arith.constant 32 : i32
    %add3A_167 = arith.constant 256 : i32
    %add3A_168 = arith.addi %mul3A_2, %add3A_167 : i32
    %mul3A_169 = arith.constant 50 : i32
    %mul3A_170 = arith.muli %add3A_168, %mul3A_169 : i32
    "tpu.region"() ({
      %run_scoped3A = tpu.sem_alloc : memref<!tpu.dma_semaphore, #tpu.memory_space<semaphore_mem>>
      %dma_start3A_382 = tpu.memref_slice %arg2[%mul3A_170] : memref<819200xi32, #tpu.memory_space<hbm>> -> memref<1600xi32, #tpu.memory_space<hbm>>
      %dma_start3A_383 = tpu.memref_slice %arg2[%mul3A_170] : memref<819200xi32, #tpu.memory_space<hbm>> -> memref<1600xi32, #tpu.memory_space<hbm>>
      tpu.enqueue_dma source(%dma_start3A_383 : memref<1600xi32, #tpu.memory_space<hbm>>) target(%arg5 : memref<1600xi32, #tpu.memory_space<vmem>>) target_semaphore(%run_scoped3A : memref<!tpu.dma_semaphore, #tpu.memory_space<semaphore_mem>>)
      %dma_wait3A_384 = tpu.memref_slice %arg2[%mul3A_170] : memref<819200xi32, #tpu.memory_space<hbm>> -> memref<1600xi32, #tpu.memory_space<hbm>>
      %dma_wait3A_385 = tpu.memref_slice %arg2[%mul3A_170] : memref<819200xi32, #tpu.memory_space<hbm>> -> memref<1600xi32, #tpu.memory_space<hbm>>
      tpu.wait_dma2 semaphore(%run_scoped3A : memref<!tpu.dma_semaphore, #tpu.memory_space<semaphore_mem>>) src(%dma_wait3A_385 : memref<1600xi32, #tpu.memory_space<hbm>>) dst(%arg5 : memref<1600xi32, #tpu.memory_space<vmem>>)
      tpu.yield
    }) : () -> ()
    %dma_wait3A_171 = arith.constant 0 : i32
    %dma_wait3A_172 = arith.constant 0 : i32
    %dma_wait3A_173 = tpu.memref_slice %arg3[%dma_wait3A_171, %dma_wait3A_172] : memref<1000000x32xf32, #tpu.memory_space<hbm>> -> memref<1600x32xf32, #tpu.memory_space<hbm>>
    %dma_wait3A_174 = arith.constant 0 : i32
    %dma_wait3A_175 = arith.constant 0 : i32
    %dma_wait3A_176 = tpu.memref_slice %arg3[%dma_wait3A_174, %dma_wait3A_175] : memref<1000000x32xf32, #tpu.memory_space<hbm>> -> memref<1600x32xf32, #tpu.memory_space<hbm>>
    tpu.wait_dma2 semaphore(%arg11 : memref<!tpu.dma_semaphore, #tpu.memory_space<semaphore_mem>>) src(%dma_wait3A_176 : memref<1600x32xf32, #tpu.memory_space<hbm>>) dst(%arg7 : memref<1600x32xf32, #tpu.memory_space<vmem>>)
    %dma_start3A_177 = arith.constant 0 : i32
    %dma_start3A_178 = arith.constant 0 : i32
    %dma_start3A_179 = tpu.memref_slice %arg3[%dma_start3A_177, %dma_start3A_178] : memref<1000000x32xf32, #tpu.memory_space<hbm>> -> memref<1000000x32xf32, #tpu.memory_space<hbm>>
    tpu.enqueue_indirect_dma source(%dma_start3A_179 : memref<1000000x32xf32, #tpu.memory_space<hbm>>) target(%arg7 : memref<1600x32xf32, #tpu.memory_space<vmem>>) offsets(%arg5 : memref<1600xi32, #tpu.memory_space<vmem>>) semaphore(%arg9 : memref<!tpu.dma_semaphore, #tpu.memory_space<semaphore_mem>>)
    %dma_wait3A_180 = arith.constant 0 : i32
    %dma_wait3A_181 = arith.constant 0 : i32
    %dma_wait3A_182 = tpu.memref_slice %arg3[%dma_wait3A_180, %dma_wait3A_181] : memref<1000000x32xf32, #tpu.memory_space<hbm>> -> memref<1000000x32xf32, #tpu.memory_space<hbm>>
    tpu.wait_indirect_dma semaphore(%arg10 : memref<!tpu.dma_semaphore, #tpu.memory_space<semaphore_mem>>) src(%dma_wait3A_182 : memref<1000000x32xf32, #tpu.memory_space<hbm>>) dst(%arg8 : memref<1600x32xf32, #tpu.memory_space<vmem>>)
    %add3A_183 = arith.constant 224 : i32
    %add3A_184 = arith.addi %mul3A_2, %add3A_183 : i32
    %scan3A_185 = arith.constant 0 : i32
    %scan3A_186 = arith.constant 0 : i32
    %scan3A_187 = arith.constant 32 : i32
    %scan3A_188 = arith.addi %scan3A_186, %scan3A_187 : i32
    %scan3A_189 = arith.constant 1 : i32
    scf.for %scan3A_382 = %scan3A_186 to %scan3A_188 step %scan3A_189  : i32 {
      %mul3A_383 = arith.constant 50 : i32
      %mul3A_384 = arith.muli %scan3A_382, %mul3A_383 : i32
      %add3A_385 = arith.addi %add3A_184, %scan3A_382 : i32
      %dma_start3A_386 = arith.constant 0 : i32
      %dma_start3A_387 = tpu.memref_slice %arg8[%mul3A_384, %dma_start3A_386] : memref<1600x32xf32, #tpu.memory_space<vmem>> -> memref<50x32xf32, #tpu.memory_space<vmem>>
      %dma_start3A_388 = arith.constant 0 : i32
      %dma_start3A_389 = arith.constant 0 : i32
      %dma_start3A_390 = tpu.memref_slice %arg4[%add3A_385, %dma_start3A_388, %dma_start3A_389] : memref<16384x50x32xf32, #tpu.memory_space<hbm>> -> memref<1x50x32xf32, #tpu.memory_space<hbm>>
      %dma_start3A_391 = tpu.memref_squeeze %dma_start3A_390 : memref<1x50x32xf32, #tpu.memory_space<hbm>> -> memref<50x32xf32, #tpu.memory_space<hbm>>
      %dma_start3A_392 = arith.constant 0 : i32
      %dma_start3A_393 = arith.constant 0 : i32
      %dma_start3A_394 = tpu.memref_slice %arg4[%add3A_385, %dma_start3A_392, %dma_start3A_393] : memref<16384x50x32xf32, #tpu.memory_space<hbm>> -> memref<1x50x32xf32, #tpu.memory_space<hbm>>
      %dma_start3A_395 = tpu.memref_squeeze %dma_start3A_394 : memref<1x50x32xf32, #tpu.memory_space<hbm>> -> memref<50x32xf32, #tpu.memory_space<hbm>>
      %dma_start3A_396 = arith.constant 0 : i32
      %dma_start3A_397 = tpu.memref_slice %arg8[%mul3A_384, %dma_start3A_396] : memref<1600x32xf32, #tpu.memory_space<vmem>> -> memref<50x32xf32, #tpu.memory_space<vmem>>
      tpu.enqueue_dma source(%dma_start3A_397 : memref<50x32xf32, #tpu.memory_space<vmem>>) target(%dma_start3A_395 : memref<50x32xf32, #tpu.memory_space<hbm>>) target_semaphore(%arg12 : memref<!tpu.dma_semaphore, #tpu.memory_space<semaphore_mem>>)
    }
    %scan3A_190 = arith.constant 32 : i32
    %add3A_191 = arith.constant 288 : i32
    %add3A_192 = arith.addi %mul3A_2, %add3A_191 : i32
    %mul3A_193 = arith.constant 50 : i32
    %mul3A_194 = arith.muli %add3A_192, %mul3A_193 : i32
    "tpu.region"() ({
      %run_scoped3A = tpu.sem_alloc : memref<!tpu.dma_semaphore, #tpu.memory_space<semaphore_mem>>
      %dma_start3A_382 = tpu.memref_slice %arg2[%mul3A_194] : memref<819200xi32, #tpu.memory_space<hbm>> -> memref<1600xi32, #tpu.memory_space<hbm>>
      %dma_start3A_383 = tpu.memref_slice %arg2[%mul3A_194] : memref<819200xi32, #tpu.memory_space<hbm>> -> memref<1600xi32, #tpu.memory_space<hbm>>
      tpu.enqueue_dma source(%dma_start3A_383 : memref<1600xi32, #tpu.memory_space<hbm>>) target(%arg6 : memref<1600xi32, #tpu.memory_space<vmem>>) target_semaphore(%run_scoped3A : memref<!tpu.dma_semaphore, #tpu.memory_space<semaphore_mem>>)
      %dma_wait3A_384 = tpu.memref_slice %arg2[%mul3A_194] : memref<819200xi32, #tpu.memory_space<hbm>> -> memref<1600xi32, #tpu.memory_space<hbm>>
      %dma_wait3A_385 = tpu.memref_slice %arg2[%mul3A_194] : memref<819200xi32, #tpu.memory_space<hbm>> -> memref<1600xi32, #tpu.memory_space<hbm>>
      tpu.wait_dma2 semaphore(%run_scoped3A : memref<!tpu.dma_semaphore, #tpu.memory_space<semaphore_mem>>) src(%dma_wait3A_385 : memref<1600xi32, #tpu.memory_space<hbm>>) dst(%arg6 : memref<1600xi32, #tpu.memory_space<vmem>>)
      tpu.yield
    }) : () -> ()
    %dma_wait3A_195 = arith.constant 0 : i32
    %dma_wait3A_196 = arith.constant 0 : i32
    %dma_wait3A_197 = tpu.memref_slice %arg3[%dma_wait3A_195, %dma_wait3A_196] : memref<1000000x32xf32, #tpu.memory_space<hbm>> -> memref<1600x32xf32, #tpu.memory_space<hbm>>
    %dma_wait3A_198 = arith.constant 0 : i32
    %dma_wait3A_199 = arith.constant 0 : i32
    %dma_wait3A_200 = tpu.memref_slice %arg3[%dma_wait3A_198, %dma_wait3A_199] : memref<1000000x32xf32, #tpu.memory_space<hbm>> -> memref<1600x32xf32, #tpu.memory_space<hbm>>
    tpu.wait_dma2 semaphore(%arg12 : memref<!tpu.dma_semaphore, #tpu.memory_space<semaphore_mem>>) src(%dma_wait3A_200 : memref<1600x32xf32, #tpu.memory_space<hbm>>) dst(%arg8 : memref<1600x32xf32, #tpu.memory_space<vmem>>)
    %dma_start3A_201 = arith.constant 0 : i32
    %dma_start3A_202 = arith.constant 0 : i32
    %dma_start3A_203 = tpu.memref_slice %arg3[%dma_start3A_201, %dma_start3A_202] : memref<1000000x32xf32, #tpu.memory_space<hbm>> -> memref<1000000x32xf32, #tpu.memory_space<hbm>>
    tpu.enqueue_indirect_dma source(%dma_start3A_203 : memref<1000000x32xf32, #tpu.memory_space<hbm>>) target(%arg8 : memref<1600x32xf32, #tpu.memory_space<vmem>>) offsets(%arg6 : memref<1600xi32, #tpu.memory_space<vmem>>) semaphore(%arg10 : memref<!tpu.dma_semaphore, #tpu.memory_space<semaphore_mem>>)
    %dma_wait3A_204 = arith.constant 0 : i32
    %dma_wait3A_205 = arith.constant 0 : i32
    %dma_wait3A_206 = tpu.memref_slice %arg3[%dma_wait3A_204, %dma_wait3A_205] : memref<1000000x32xf32, #tpu.memory_space<hbm>> -> memref<1000000x32xf32, #tpu.memory_space<hbm>>
    tpu.wait_indirect_dma semaphore(%arg9 : memref<!tpu.dma_semaphore, #tpu.memory_space<semaphore_mem>>) src(%dma_wait3A_206 : memref<1000000x32xf32, #tpu.memory_space<hbm>>) dst(%arg7 : memref<1600x32xf32, #tpu.memory_space<vmem>>)
    %add3A_207 = arith.constant 256 : i32
    %add3A_208 = arith.addi %mul3A_2, %add3A_207 : i32
    %scan3A_209 = arith.constant 0 : i32
    %scan3A_210 = arith.constant 0 : i32
    %scan3A_211 = arith.constant 32 : i32
    %scan3A_212 = arith.addi %scan3A_210, %scan3A_211 : i32
    %scan3A_213 = arith.constant 1 : i32
    scf.for %scan3A_382 = %scan3A_210 to %scan3A_212 step %scan3A_213  : i32 {
      %mul3A_383 = arith.constant 50 : i32
      %mul3A_384 = arith.muli %scan3A_382, %mul3A_383 : i32
      %add3A_385 = arith.addi %add3A_208, %scan3A_382 : i32
      %dma_start3A_386 = arith.constant 0 : i32
      %dma_start3A_387 = tpu.memref_slice %arg7[%mul3A_384, %dma_start3A_386] : memref<1600x32xf32, #tpu.memory_space<vmem>> -> memref<50x32xf32, #tpu.memory_space<vmem>>
      %dma_start3A_388 = arith.constant 0 : i32
      %dma_start3A_389 = arith.constant 0 : i32
      %dma_start3A_390 = tpu.memref_slice %arg4[%add3A_385, %dma_start3A_388, %dma_start3A_389] : memref<16384x50x32xf32, #tpu.memory_space<hbm>> -> memref<1x50x32xf32, #tpu.memory_space<hbm>>
      %dma_start3A_391 = tpu.memref_squeeze %dma_start3A_390 : memref<1x50x32xf32, #tpu.memory_space<hbm>> -> memref<50x32xf32, #tpu.memory_space<hbm>>
      %dma_start3A_392 = arith.constant 0 : i32
      %dma_start3A_393 = arith.constant 0 : i32
      %dma_start3A_394 = tpu.memref_slice %arg4[%add3A_385, %dma_start3A_392, %dma_start3A_393] : memref<16384x50x32xf32, #tpu.memory_space<hbm>> -> memref<1x50x32xf32, #tpu.memory_space<hbm>>
      %dma_start3A_395 = tpu.memref_squeeze %dma_start3A_394 : memref<1x50x32xf32, #tpu.memory_space<hbm>> -> memref<50x32xf32, #tpu.memory_space<hbm>>
      %dma_start3A_396 = arith.constant 0 : i32
      %dma_start3A_397 = tpu.memref_slice %arg7[%mul3A_384, %dma_start3A_396] : memref<1600x32xf32, #tpu.memory_space<vmem>> -> memref<50x32xf32, #tpu.memory_space<vmem>>
      tpu.enqueue_dma source(%dma_start3A_397 : memref<50x32xf32, #tpu.memory_space<vmem>>) target(%dma_start3A_395 : memref<50x32xf32, #tpu.memory_space<hbm>>) target_semaphore(%arg11 : memref<!tpu.dma_semaphore, #tpu.memory_space<semaphore_mem>>)
    }
    %scan3A_214 = arith.constant 32 : i32
    %add3A_215 = arith.constant 320 : i32
    %add3A_216 = arith.addi %mul3A_2, %add3A_215 : i32
    %mul3A_217 = arith.constant 50 : i32
    %mul3A_218 = arith.muli %add3A_216, %mul3A_217 : i32
    "tpu.region"() ({
      %run_scoped3A = tpu.sem_alloc : memref<!tpu.dma_semaphore, #tpu.memory_space<semaphore_mem>>
      %dma_start3A_382 = tpu.memref_slice %arg2[%mul3A_218] : memref<819200xi32, #tpu.memory_space<hbm>> -> memref<1600xi32, #tpu.memory_space<hbm>>
      %dma_start3A_383 = tpu.memref_slice %arg2[%mul3A_218] : memref<819200xi32, #tpu.memory_space<hbm>> -> memref<1600xi32, #tpu.memory_space<hbm>>
      tpu.enqueue_dma source(%dma_start3A_383 : memref<1600xi32, #tpu.memory_space<hbm>>) target(%arg5 : memref<1600xi32, #tpu.memory_space<vmem>>) target_semaphore(%run_scoped3A : memref<!tpu.dma_semaphore, #tpu.memory_space<semaphore_mem>>)
      %dma_wait3A_384 = tpu.memref_slice %arg2[%mul3A_218] : memref<819200xi32, #tpu.memory_space<hbm>> -> memref<1600xi32, #tpu.memory_space<hbm>>
      %dma_wait3A_385 = tpu.memref_slice %arg2[%mul3A_218] : memref<819200xi32, #tpu.memory_space<hbm>> -> memref<1600xi32, #tpu.memory_space<hbm>>
      tpu.wait_dma2 semaphore(%run_scoped3A : memref<!tpu.dma_semaphore, #tpu.memory_space<semaphore_mem>>) src(%dma_wait3A_385 : memref<1600xi32, #tpu.memory_space<hbm>>) dst(%arg5 : memref<1600xi32, #tpu.memory_space<vmem>>)
      tpu.yield
    }) : () -> ()
    %dma_wait3A_219 = arith.constant 0 : i32
    %dma_wait3A_220 = arith.constant 0 : i32
    %dma_wait3A_221 = tpu.memref_slice %arg3[%dma_wait3A_219, %dma_wait3A_220] : memref<1000000x32xf32, #tpu.memory_space<hbm>> -> memref<1600x32xf32, #tpu.memory_space<hbm>>
    %dma_wait3A_222 = arith.constant 0 : i32
    %dma_wait3A_223 = arith.constant 0 : i32
    %dma_wait3A_224 = tpu.memref_slice %arg3[%dma_wait3A_222, %dma_wait3A_223] : memref<1000000x32xf32, #tpu.memory_space<hbm>> -> memref<1600x32xf32, #tpu.memory_space<hbm>>
    tpu.wait_dma2 semaphore(%arg11 : memref<!tpu.dma_semaphore, #tpu.memory_space<semaphore_mem>>) src(%dma_wait3A_224 : memref<1600x32xf32, #tpu.memory_space<hbm>>) dst(%arg7 : memref<1600x32xf32, #tpu.memory_space<vmem>>)
    %dma_start3A_225 = arith.constant 0 : i32
    %dma_start3A_226 = arith.constant 0 : i32
    %dma_start3A_227 = tpu.memref_slice %arg3[%dma_start3A_225, %dma_start3A_226] : memref<1000000x32xf32, #tpu.memory_space<hbm>> -> memref<1000000x32xf32, #tpu.memory_space<hbm>>
    tpu.enqueue_indirect_dma source(%dma_start3A_227 : memref<1000000x32xf32, #tpu.memory_space<hbm>>) target(%arg7 : memref<1600x32xf32, #tpu.memory_space<vmem>>) offsets(%arg5 : memref<1600xi32, #tpu.memory_space<vmem>>) semaphore(%arg9 : memref<!tpu.dma_semaphore, #tpu.memory_space<semaphore_mem>>)
    %dma_wait3A_228 = arith.constant 0 : i32
    %dma_wait3A_229 = arith.constant 0 : i32
    %dma_wait3A_230 = tpu.memref_slice %arg3[%dma_wait3A_228, %dma_wait3A_229] : memref<1000000x32xf32, #tpu.memory_space<hbm>> -> memref<1000000x32xf32, #tpu.memory_space<hbm>>
    tpu.wait_indirect_dma semaphore(%arg10 : memref<!tpu.dma_semaphore, #tpu.memory_space<semaphore_mem>>) src(%dma_wait3A_230 : memref<1000000x32xf32, #tpu.memory_space<hbm>>) dst(%arg8 : memref<1600x32xf32, #tpu.memory_space<vmem>>)
    %add3A_231 = arith.constant 288 : i32
    %add3A_232 = arith.addi %mul3A_2, %add3A_231 : i32
    %scan3A_233 = arith.constant 0 : i32
    %scan3A_234 = arith.constant 0 : i32
    %scan3A_235 = arith.constant 32 : i32
    %scan3A_236 = arith.addi %scan3A_234, %scan3A_235 : i32
    %scan3A_237 = arith.constant 1 : i32
    scf.for %scan3A_382 = %scan3A_234 to %scan3A_236 step %scan3A_237  : i32 {
      %mul3A_383 = arith.constant 50 : i32
      %mul3A_384 = arith.muli %scan3A_382, %mul3A_383 : i32
      %add3A_385 = arith.addi %add3A_232, %scan3A_382 : i32
      %dma_start3A_386 = arith.constant 0 : i32
      %dma_start3A_387 = tpu.memref_slice %arg8[%mul3A_384, %dma_start3A_386] : memref<1600x32xf32, #tpu.memory_space<vmem>> -> memref<50x32xf32, #tpu.memory_space<vmem>>
      %dma_start3A_388 = arith.constant 0 : i32
      %dma_start3A_389 = arith.constant 0 : i32
      %dma_start3A_390 = tpu.memref_slice %arg4[%add3A_385, %dma_start3A_388, %dma_start3A_389] : memref<16384x50x32xf32, #tpu.memory_space<hbm>> -> memref<1x50x32xf32, #tpu.memory_space<hbm>>
      %dma_start3A_391 = tpu.memref_squeeze %dma_start3A_390 : memref<1x50x32xf32, #tpu.memory_space<hbm>> -> memref<50x32xf32, #tpu.memory_space<hbm>>
      %dma_start3A_392 = arith.constant 0 : i32
      %dma_start3A_393 = arith.constant 0 : i32
      %dma_start3A_394 = tpu.memref_slice %arg4[%add3A_385, %dma_start3A_392, %dma_start3A_393] : memref<16384x50x32xf32, #tpu.memory_space<hbm>> -> memref<1x50x32xf32, #tpu.memory_space<hbm>>
      %dma_start3A_395 = tpu.memref_squeeze %dma_start3A_394 : memref<1x50x32xf32, #tpu.memory_space<hbm>> -> memref<50x32xf32, #tpu.memory_space<hbm>>
      %dma_start3A_396 = arith.constant 0 : i32
      %dma_start3A_397 = tpu.memref_slice %arg8[%mul3A_384, %dma_start3A_396] : memref<1600x32xf32, #tpu.memory_space<vmem>> -> memref<50x32xf32, #tpu.memory_space<vmem>>
      tpu.enqueue_dma source(%dma_start3A_397 : memref<50x32xf32, #tpu.memory_space<vmem>>) target(%dma_start3A_395 : memref<50x32xf32, #tpu.memory_space<hbm>>) target_semaphore(%arg12 : memref<!tpu.dma_semaphore, #tpu.memory_space<semaphore_mem>>)
    }
    %scan3A_238 = arith.constant 32 : i32
    %add3A_239 = arith.constant 352 : i32
    %add3A_240 = arith.addi %mul3A_2, %add3A_239 : i32
    %mul3A_241 = arith.constant 50 : i32
    %mul3A_242 = arith.muli %add3A_240, %mul3A_241 : i32
    "tpu.region"() ({
      %run_scoped3A = tpu.sem_alloc : memref<!tpu.dma_semaphore, #tpu.memory_space<semaphore_mem>>
      %dma_start3A_382 = tpu.memref_slice %arg2[%mul3A_242] : memref<819200xi32, #tpu.memory_space<hbm>> -> memref<1600xi32, #tpu.memory_space<hbm>>
      %dma_start3A_383 = tpu.memref_slice %arg2[%mul3A_242] : memref<819200xi32, #tpu.memory_space<hbm>> -> memref<1600xi32, #tpu.memory_space<hbm>>
      tpu.enqueue_dma source(%dma_start3A_383 : memref<1600xi32, #tpu.memory_space<hbm>>) target(%arg6 : memref<1600xi32, #tpu.memory_space<vmem>>) target_semaphore(%run_scoped3A : memref<!tpu.dma_semaphore, #tpu.memory_space<semaphore_mem>>)
      %dma_wait3A_384 = tpu.memref_slice %arg2[%mul3A_242] : memref<819200xi32, #tpu.memory_space<hbm>> -> memref<1600xi32, #tpu.memory_space<hbm>>
      %dma_wait3A_385 = tpu.memref_slice %arg2[%mul3A_242] : memref<819200xi32, #tpu.memory_space<hbm>> -> memref<1600xi32, #tpu.memory_space<hbm>>
      tpu.wait_dma2 semaphore(%run_scoped3A : memref<!tpu.dma_semaphore, #tpu.memory_space<semaphore_mem>>) src(%dma_wait3A_385 : memref<1600xi32, #tpu.memory_space<hbm>>) dst(%arg6 : memref<1600xi32, #tpu.memory_space<vmem>>)
      tpu.yield
    }) : () -> ()
    %dma_wait3A_243 = arith.constant 0 : i32
    %dma_wait3A_244 = arith.constant 0 : i32
    %dma_wait3A_245 = tpu.memref_slice %arg3[%dma_wait3A_243, %dma_wait3A_244] : memref<1000000x32xf32, #tpu.memory_space<hbm>> -> memref<1600x32xf32, #tpu.memory_space<hbm>>
    %dma_wait3A_246 = arith.constant 0 : i32
    %dma_wait3A_247 = arith.constant 0 : i32
    %dma_wait3A_248 = tpu.memref_slice %arg3[%dma_wait3A_246, %dma_wait3A_247] : memref<1000000x32xf32, #tpu.memory_space<hbm>> -> memref<1600x32xf32, #tpu.memory_space<hbm>>
    tpu.wait_dma2 semaphore(%arg12 : memref<!tpu.dma_semaphore, #tpu.memory_space<semaphore_mem>>) src(%dma_wait3A_248 : memref<1600x32xf32, #tpu.memory_space<hbm>>) dst(%arg8 : memref<1600x32xf32, #tpu.memory_space<vmem>>)
    %dma_start3A_249 = arith.constant 0 : i32
    %dma_start3A_250 = arith.constant 0 : i32
    %dma_start3A_251 = tpu.memref_slice %arg3[%dma_start3A_249, %dma_start3A_250] : memref<1000000x32xf32, #tpu.memory_space<hbm>> -> memref<1000000x32xf32, #tpu.memory_space<hbm>>
    tpu.enqueue_indirect_dma source(%dma_start3A_251 : memref<1000000x32xf32, #tpu.memory_space<hbm>>) target(%arg8 : memref<1600x32xf32, #tpu.memory_space<vmem>>) offsets(%arg6 : memref<1600xi32, #tpu.memory_space<vmem>>) semaphore(%arg10 : memref<!tpu.dma_semaphore, #tpu.memory_space<semaphore_mem>>)
    %dma_wait3A_252 = arith.constant 0 : i32
    %dma_wait3A_253 = arith.constant 0 : i32
    %dma_wait3A_254 = tpu.memref_slice %arg3[%dma_wait3A_252, %dma_wait3A_253] : memref<1000000x32xf32, #tpu.memory_space<hbm>> -> memref<1000000x32xf32, #tpu.memory_space<hbm>>
    tpu.wait_indirect_dma semaphore(%arg9 : memref<!tpu.dma_semaphore, #tpu.memory_space<semaphore_mem>>) src(%dma_wait3A_254 : memref<1000000x32xf32, #tpu.memory_space<hbm>>) dst(%arg7 : memref<1600x32xf32, #tpu.memory_space<vmem>>)
    %add3A_255 = arith.constant 320 : i32
    %add3A_256 = arith.addi %mul3A_2, %add3A_255 : i32
    %scan3A_257 = arith.constant 0 : i32
    %scan3A_258 = arith.constant 0 : i32
    %scan3A_259 = arith.constant 32 : i32
    %scan3A_260 = arith.addi %scan3A_258, %scan3A_259 : i32
    %scan3A_261 = arith.constant 1 : i32
    scf.for %scan3A_382 = %scan3A_258 to %scan3A_260 step %scan3A_261  : i32 {
      %mul3A_383 = arith.constant 50 : i32
      %mul3A_384 = arith.muli %scan3A_382, %mul3A_383 : i32
      %add3A_385 = arith.addi %add3A_256, %scan3A_382 : i32
      %dma_start3A_386 = arith.constant 0 : i32
      %dma_start3A_387 = tpu.memref_slice %arg7[%mul3A_384, %dma_start3A_386] : memref<1600x32xf32, #tpu.memory_space<vmem>> -> memref<50x32xf32, #tpu.memory_space<vmem>>
      %dma_start3A_388 = arith.constant 0 : i32
      %dma_start3A_389 = arith.constant 0 : i32
      %dma_start3A_390 = tpu.memref_slice %arg4[%add3A_385, %dma_start3A_388, %dma_start3A_389] : memref<16384x50x32xf32, #tpu.memory_space<hbm>> -> memref<1x50x32xf32, #tpu.memory_space<hbm>>
      %dma_start3A_391 = tpu.memref_squeeze %dma_start3A_390 : memref<1x50x32xf32, #tpu.memory_space<hbm>> -> memref<50x32xf32, #tpu.memory_space<hbm>>
      %dma_start3A_392 = arith.constant 0 : i32
      %dma_start3A_393 = arith.constant 0 : i32
      %dma_start3A_394 = tpu.memref_slice %arg4[%add3A_385, %dma_start3A_392, %dma_start3A_393] : memref<16384x50x32xf32, #tpu.memory_space<hbm>> -> memref<1x50x32xf32, #tpu.memory_space<hbm>>
      %dma_start3A_395 = tpu.memref_squeeze %dma_start3A_394 : memref<1x50x32xf32, #tpu.memory_space<hbm>> -> memref<50x32xf32, #tpu.memory_space<hbm>>
      %dma_start3A_396 = arith.constant 0 : i32
      %dma_start3A_397 = tpu.memref_slice %arg7[%mul3A_384, %dma_start3A_396] : memref<1600x32xf32, #tpu.memory_space<vmem>> -> memref<50x32xf32, #tpu.memory_space<vmem>>
      tpu.enqueue_dma source(%dma_start3A_397 : memref<50x32xf32, #tpu.memory_space<vmem>>) target(%dma_start3A_395 : memref<50x32xf32, #tpu.memory_space<hbm>>) target_semaphore(%arg11 : memref<!tpu.dma_semaphore, #tpu.memory_space<semaphore_mem>>)
    }
    %scan3A_262 = arith.constant 32 : i32
    %add3A_263 = arith.constant 384 : i32
    %add3A_264 = arith.addi %mul3A_2, %add3A_263 : i32
    %mul3A_265 = arith.constant 50 : i32
    %mul3A_266 = arith.muli %add3A_264, %mul3A_265 : i32
    "tpu.region"() ({
      %run_scoped3A = tpu.sem_alloc : memref<!tpu.dma_semaphore, #tpu.memory_space<semaphore_mem>>
      %dma_start3A_382 = tpu.memref_slice %arg2[%mul3A_266] : memref<819200xi32, #tpu.memory_space<hbm>> -> memref<1600xi32, #tpu.memory_space<hbm>>
      %dma_start3A_383 = tpu.memref_slice %arg2[%mul3A_266] : memref<819200xi32, #tpu.memory_space<hbm>> -> memref<1600xi32, #tpu.memory_space<hbm>>
      tpu.enqueue_dma source(%dma_start3A_383 : memref<1600xi32, #tpu.memory_space<hbm>>) target(%arg5 : memref<1600xi32, #tpu.memory_space<vmem>>) target_semaphore(%run_scoped3A : memref<!tpu.dma_semaphore, #tpu.memory_space<semaphore_mem>>)
      %dma_wait3A_384 = tpu.memref_slice %arg2[%mul3A_266] : memref<819200xi32, #tpu.memory_space<hbm>> -> memref<1600xi32, #tpu.memory_space<hbm>>
      %dma_wait3A_385 = tpu.memref_slice %arg2[%mul3A_266] : memref<819200xi32, #tpu.memory_space<hbm>> -> memref<1600xi32, #tpu.memory_space<hbm>>
      tpu.wait_dma2 semaphore(%run_scoped3A : memref<!tpu.dma_semaphore, #tpu.memory_space<semaphore_mem>>) src(%dma_wait3A_385 : memref<1600xi32, #tpu.memory_space<hbm>>) dst(%arg5 : memref<1600xi32, #tpu.memory_space<vmem>>)
      tpu.yield
    }) : () -> ()
    %dma_wait3A_267 = arith.constant 0 : i32
    %dma_wait3A_268 = arith.constant 0 : i32
    %dma_wait3A_269 = tpu.memref_slice %arg3[%dma_wait3A_267, %dma_wait3A_268] : memref<1000000x32xf32, #tpu.memory_space<hbm>> -> memref<1600x32xf32, #tpu.memory_space<hbm>>
    %dma_wait3A_270 = arith.constant 0 : i32
    %dma_wait3A_271 = arith.constant 0 : i32
    %dma_wait3A_272 = tpu.memref_slice %arg3[%dma_wait3A_270, %dma_wait3A_271] : memref<1000000x32xf32, #tpu.memory_space<hbm>> -> memref<1600x32xf32, #tpu.memory_space<hbm>>
    tpu.wait_dma2 semaphore(%arg11 : memref<!tpu.dma_semaphore, #tpu.memory_space<semaphore_mem>>) src(%dma_wait3A_272 : memref<1600x32xf32, #tpu.memory_space<hbm>>) dst(%arg7 : memref<1600x32xf32, #tpu.memory_space<vmem>>)
    %dma_start3A_273 = arith.constant 0 : i32
    %dma_start3A_274 = arith.constant 0 : i32
    %dma_start3A_275 = tpu.memref_slice %arg3[%dma_start3A_273, %dma_start3A_274] : memref<1000000x32xf32, #tpu.memory_space<hbm>> -> memref<1000000x32xf32, #tpu.memory_space<hbm>>
    tpu.enqueue_indirect_dma source(%dma_start3A_275 : memref<1000000x32xf32, #tpu.memory_space<hbm>>) target(%arg7 : memref<1600x32xf32, #tpu.memory_space<vmem>>) offsets(%arg5 : memref<1600xi32, #tpu.memory_space<vmem>>) semaphore(%arg9 : memref<!tpu.dma_semaphore, #tpu.memory_space<semaphore_mem>>)
    %dma_wait3A_276 = arith.constant 0 : i32
    %dma_wait3A_277 = arith.constant 0 : i32
    %dma_wait3A_278 = tpu.memref_slice %arg3[%dma_wait3A_276, %dma_wait3A_277] : memref<1000000x32xf32, #tpu.memory_space<hbm>> -> memref<1000000x32xf32, #tpu.memory_space<hbm>>
    tpu.wait_indirect_dma semaphore(%arg10 : memref<!tpu.dma_semaphore, #tpu.memory_space<semaphore_mem>>) src(%dma_wait3A_278 : memref<1000000x32xf32, #tpu.memory_space<hbm>>) dst(%arg8 : memref<1600x32xf32, #tpu.memory_space<vmem>>)
    %add3A_279 = arith.constant 352 : i32
    %add3A_280 = arith.addi %mul3A_2, %add3A_279 : i32
    %scan3A_281 = arith.constant 0 : i32
    %scan3A_282 = arith.constant 0 : i32
    %scan3A_283 = arith.constant 32 : i32
    %scan3A_284 = arith.addi %scan3A_282, %scan3A_283 : i32
    %scan3A_285 = arith.constant 1 : i32
    scf.for %scan3A_382 = %scan3A_282 to %scan3A_284 step %scan3A_285  : i32 {
      %mul3A_383 = arith.constant 50 : i32
      %mul3A_384 = arith.muli %scan3A_382, %mul3A_383 : i32
      %add3A_385 = arith.addi %add3A_280, %scan3A_382 : i32
      %dma_start3A_386 = arith.constant 0 : i32
      %dma_start3A_387 = tpu.memref_slice %arg8[%mul3A_384, %dma_start3A_386] : memref<1600x32xf32, #tpu.memory_space<vmem>> -> memref<50x32xf32, #tpu.memory_space<vmem>>
      %dma_start3A_388 = arith.constant 0 : i32
      %dma_start3A_389 = arith.constant 0 : i32
      %dma_start3A_390 = tpu.memref_slice %arg4[%add3A_385, %dma_start3A_388, %dma_start3A_389] : memref<16384x50x32xf32, #tpu.memory_space<hbm>> -> memref<1x50x32xf32, #tpu.memory_space<hbm>>
      %dma_start3A_391 = tpu.memref_squeeze %dma_start3A_390 : memref<1x50x32xf32, #tpu.memory_space<hbm>> -> memref<50x32xf32, #tpu.memory_space<hbm>>
      %dma_start3A_392 = arith.constant 0 : i32
      %dma_start3A_393 = arith.constant 0 : i32
      %dma_start3A_394 = tpu.memref_slice %arg4[%add3A_385, %dma_start3A_392, %dma_start3A_393] : memref<16384x50x32xf32, #tpu.memory_space<hbm>> -> memref<1x50x32xf32, #tpu.memory_space<hbm>>
      %dma_start3A_395 = tpu.memref_squeeze %dma_start3A_394 : memref<1x50x32xf32, #tpu.memory_space<hbm>> -> memref<50x32xf32, #tpu.memory_space<hbm>>
      %dma_start3A_396 = arith.constant 0 : i32
      %dma_start3A_397 = tpu.memref_slice %arg8[%mul3A_384, %dma_start3A_396] : memref<1600x32xf32, #tpu.memory_space<vmem>> -> memref<50x32xf32, #tpu.memory_space<vmem>>
      tpu.enqueue_dma source(%dma_start3A_397 : memref<50x32xf32, #tpu.memory_space<vmem>>) target(%dma_start3A_395 : memref<50x32xf32, #tpu.memory_space<hbm>>) target_semaphore(%arg12 : memref<!tpu.dma_semaphore, #tpu.memory_space<semaphore_mem>>)
    }
    %scan3A_286 = arith.constant 32 : i32
    %add3A_287 = arith.constant 416 : i32
    %add3A_288 = arith.addi %mul3A_2, %add3A_287 : i32
    %mul3A_289 = arith.constant 50 : i32
    %mul3A_290 = arith.muli %add3A_288, %mul3A_289 : i32
    "tpu.region"() ({
      %run_scoped3A = tpu.sem_alloc : memref<!tpu.dma_semaphore, #tpu.memory_space<semaphore_mem>>
      %dma_start3A_382 = tpu.memref_slice %arg2[%mul3A_290] : memref<819200xi32, #tpu.memory_space<hbm>> -> memref<1600xi32, #tpu.memory_space<hbm>>
      %dma_start3A_383 = tpu.memref_slice %arg2[%mul3A_290] : memref<819200xi32, #tpu.memory_space<hbm>> -> memref<1600xi32, #tpu.memory_space<hbm>>
      tpu.enqueue_dma source(%dma_start3A_383 : memref<1600xi32, #tpu.memory_space<hbm>>) target(%arg6 : memref<1600xi32, #tpu.memory_space<vmem>>) target_semaphore(%run_scoped3A : memref<!tpu.dma_semaphore, #tpu.memory_space<semaphore_mem>>)
      %dma_wait3A_384 = tpu.memref_slice %arg2[%mul3A_290] : memref<819200xi32, #tpu.memory_space<hbm>> -> memref<1600xi32, #tpu.memory_space<hbm>>
      %dma_wait3A_385 = tpu.memref_slice %arg2[%mul3A_290] : memref<819200xi32, #tpu.memory_space<hbm>> -> memref<1600xi32, #tpu.memory_space<hbm>>
      tpu.wait_dma2 semaphore(%run_scoped3A : memref<!tpu.dma_semaphore, #tpu.memory_space<semaphore_mem>>) src(%dma_wait3A_385 : memref<1600xi32, #tpu.memory_space<hbm>>) dst(%arg6 : memref<1600xi32, #tpu.memory_space<vmem>>)
      tpu.yield
    }) : () -> ()
    %dma_wait3A_291 = arith.constant 0 : i32
    %dma_wait3A_292 = arith.constant 0 : i32
    %dma_wait3A_293 = tpu.memref_slice %arg3[%dma_wait3A_291, %dma_wait3A_292] : memref<1000000x32xf32, #tpu.memory_space<hbm>> -> memref<1600x32xf32, #tpu.memory_space<hbm>>
    %dma_wait3A_294 = arith.constant 0 : i32
    %dma_wait3A_295 = arith.constant 0 : i32
    %dma_wait3A_296 = tpu.memref_slice %arg3[%dma_wait3A_294, %dma_wait3A_295] : memref<1000000x32xf32, #tpu.memory_space<hbm>> -> memref<1600x32xf32, #tpu.memory_space<hbm>>
    tpu.wait_dma2 semaphore(%arg12 : memref<!tpu.dma_semaphore, #tpu.memory_space<semaphore_mem>>) src(%dma_wait3A_296 : memref<1600x32xf32, #tpu.memory_space<hbm>>) dst(%arg8 : memref<1600x32xf32, #tpu.memory_space<vmem>>)
    %dma_start3A_297 = arith.constant 0 : i32
    %dma_start3A_298 = arith.constant 0 : i32
    %dma_start3A_299 = tpu.memref_slice %arg3[%dma_start3A_297, %dma_start3A_298] : memref<1000000x32xf32, #tpu.memory_space<hbm>> -> memref<1000000x32xf32, #tpu.memory_space<hbm>>
    tpu.enqueue_indirect_dma source(%dma_start3A_299 : memref<1000000x32xf32, #tpu.memory_space<hbm>>) target(%arg8 : memref<1600x32xf32, #tpu.memory_space<vmem>>) offsets(%arg6 : memref<1600xi32, #tpu.memory_space<vmem>>) semaphore(%arg10 : memref<!tpu.dma_semaphore, #tpu.memory_space<semaphore_mem>>)
    %dma_wait3A_300 = arith.constant 0 : i32
    %dma_wait3A_301 = arith.constant 0 : i32
    %dma_wait3A_302 = tpu.memref_slice %arg3[%dma_wait3A_300, %dma_wait3A_301] : memref<1000000x32xf32, #tpu.memory_space<hbm>> -> memref<1000000x32xf32, #tpu.memory_space<hbm>>
    tpu.wait_indirect_dma semaphore(%arg9 : memref<!tpu.dma_semaphore, #tpu.memory_space<semaphore_mem>>) src(%dma_wait3A_302 : memref<1000000x32xf32, #tpu.memory_space<hbm>>) dst(%arg7 : memref<1600x32xf32, #tpu.memory_space<vmem>>)
    %add3A_303 = arith.constant 384 : i32
    %add3A_304 = arith.addi %mul3A_2, %add3A_303 : i32
    %scan3A_305 = arith.constant 0 : i32
    %scan3A_306 = arith.constant 0 : i32
    %scan3A_307 = arith.constant 32 : i32
    %scan3A_308 = arith.addi %scan3A_306, %scan3A_307 : i32
    %scan3A_309 = arith.constant 1 : i32
    scf.for %scan3A_382 = %scan3A_306 to %scan3A_308 step %scan3A_309  : i32 {
      %mul3A_383 = arith.constant 50 : i32
      %mul3A_384 = arith.muli %scan3A_382, %mul3A_383 : i32
      %add3A_385 = arith.addi %add3A_304, %scan3A_382 : i32
      %dma_start3A_386 = arith.constant 0 : i32
      %dma_start3A_387 = tpu.memref_slice %arg7[%mul3A_384, %dma_start3A_386] : memref<1600x32xf32, #tpu.memory_space<vmem>> -> memref<50x32xf32, #tpu.memory_space<vmem>>
      %dma_start3A_388 = arith.constant 0 : i32
      %dma_start3A_389 = arith.constant 0 : i32
      %dma_start3A_390 = tpu.memref_slice %arg4[%add3A_385, %dma_start3A_388, %dma_start3A_389] : memref<16384x50x32xf32, #tpu.memory_space<hbm>> -> memref<1x50x32xf32, #tpu.memory_space<hbm>>
      %dma_start3A_391 = tpu.memref_squeeze %dma_start3A_390 : memref<1x50x32xf32, #tpu.memory_space<hbm>> -> memref<50x32xf32, #tpu.memory_space<hbm>>
      %dma_start3A_392 = arith.constant 0 : i32
      %dma_start3A_393 = arith.constant 0 : i32
      %dma_start3A_394 = tpu.memref_slice %arg4[%add3A_385, %dma_start3A_392, %dma_start3A_393] : memref<16384x50x32xf32, #tpu.memory_space<hbm>> -> memref<1x50x32xf32, #tpu.memory_space<hbm>>
      %dma_start3A_395 = tpu.memref_squeeze %dma_start3A_394 : memref<1x50x32xf32, #tpu.memory_space<hbm>> -> memref<50x32xf32, #tpu.memory_space<hbm>>
      %dma_start3A_396 = arith.constant 0 : i32
      %dma_start3A_397 = tpu.memref_slice %arg7[%mul3A_384, %dma_start3A_396] : memref<1600x32xf32, #tpu.memory_space<vmem>> -> memref<50x32xf32, #tpu.memory_space<vmem>>
      tpu.enqueue_dma source(%dma_start3A_397 : memref<50x32xf32, #tpu.memory_space<vmem>>) target(%dma_start3A_395 : memref<50x32xf32, #tpu.memory_space<hbm>>) target_semaphore(%arg11 : memref<!tpu.dma_semaphore, #tpu.memory_space<semaphore_mem>>)
    }
    %scan3A_310 = arith.constant 32 : i32
    %add3A_311 = arith.constant 448 : i32
    %add3A_312 = arith.addi %mul3A_2, %add3A_311 : i32
    %mul3A_313 = arith.constant 50 : i32
    %mul3A_314 = arith.muli %add3A_312, %mul3A_313 : i32
    "tpu.region"() ({
      %run_scoped3A = tpu.sem_alloc : memref<!tpu.dma_semaphore, #tpu.memory_space<semaphore_mem>>
      %dma_start3A_382 = tpu.memref_slice %arg2[%mul3A_314] : memref<819200xi32, #tpu.memory_space<hbm>> -> memref<1600xi32, #tpu.memory_space<hbm>>
      %dma_start3A_383 = tpu.memref_slice %arg2[%mul3A_314] : memref<819200xi32, #tpu.memory_space<hbm>> -> memref<1600xi32, #tpu.memory_space<hbm>>
      tpu.enqueue_dma source(%dma_start3A_383 : memref<1600xi32, #tpu.memory_space<hbm>>) target(%arg5 : memref<1600xi32, #tpu.memory_space<vmem>>) target_semaphore(%run_scoped3A : memref<!tpu.dma_semaphore, #tpu.memory_space<semaphore_mem>>)
      %dma_wait3A_384 = tpu.memref_slice %arg2[%mul3A_314] : memref<819200xi32, #tpu.memory_space<hbm>> -> memref<1600xi32, #tpu.memory_space<hbm>>
      %dma_wait3A_385 = tpu.memref_slice %arg2[%mul3A_314] : memref<819200xi32, #tpu.memory_space<hbm>> -> memref<1600xi32, #tpu.memory_space<hbm>>
      tpu.wait_dma2 semaphore(%run_scoped3A : memref<!tpu.dma_semaphore, #tpu.memory_space<semaphore_mem>>) src(%dma_wait3A_385 : memref<1600xi32, #tpu.memory_space<hbm>>) dst(%arg5 : memref<1600xi32, #tpu.memory_space<vmem>>)
      tpu.yield
    }) : () -> ()
    %dma_wait3A_315 = arith.constant 0 : i32
    %dma_wait3A_316 = arith.constant 0 : i32
    %dma_wait3A_317 = tpu.memref_slice %arg3[%dma_wait3A_315, %dma_wait3A_316] : memref<1000000x32xf32, #tpu.memory_space<hbm>> -> memref<1600x32xf32, #tpu.memory_space<hbm>>
    %dma_wait3A_318 = arith.constant 0 : i32
    %dma_wait3A_319 = arith.constant 0 : i32
    %dma_wait3A_320 = tpu.memref_slice %arg3[%dma_wait3A_318, %dma_wait3A_319] : memref<1000000x32xf32, #tpu.memory_space<hbm>> -> memref<1600x32xf32, #tpu.memory_space<hbm>>
    tpu.wait_dma2 semaphore(%arg11 : memref<!tpu.dma_semaphore, #tpu.memory_space<semaphore_mem>>) src(%dma_wait3A_320 : memref<1600x32xf32, #tpu.memory_space<hbm>>) dst(%arg7 : memref<1600x32xf32, #tpu.memory_space<vmem>>)
    %dma_start3A_321 = arith.constant 0 : i32
    %dma_start3A_322 = arith.constant 0 : i32
    %dma_start3A_323 = tpu.memref_slice %arg3[%dma_start3A_321, %dma_start3A_322] : memref<1000000x32xf32, #tpu.memory_space<hbm>> -> memref<1000000x32xf32, #tpu.memory_space<hbm>>
    tpu.enqueue_indirect_dma source(%dma_start3A_323 : memref<1000000x32xf32, #tpu.memory_space<hbm>>) target(%arg7 : memref<1600x32xf32, #tpu.memory_space<vmem>>) offsets(%arg5 : memref<1600xi32, #tpu.memory_space<vmem>>) semaphore(%arg9 : memref<!tpu.dma_semaphore, #tpu.memory_space<semaphore_mem>>)
    %dma_wait3A_324 = arith.constant 0 : i32
    %dma_wait3A_325 = arith.constant 0 : i32
    %dma_wait3A_326 = tpu.memref_slice %arg3[%dma_wait3A_324, %dma_wait3A_325] : memref<1000000x32xf32, #tpu.memory_space<hbm>> -> memref<1000000x32xf32, #tpu.memory_space<hbm>>
    tpu.wait_indirect_dma semaphore(%arg10 : memref<!tpu.dma_semaphore, #tpu.memory_space<semaphore_mem>>) src(%dma_wait3A_326 : memref<1000000x32xf32, #tpu.memory_space<hbm>>) dst(%arg8 : memref<1600x32xf32, #tpu.memory_space<vmem>>)
    %add3A_327 = arith.constant 416 : i32
    %add3A_328 = arith.addi %mul3A_2, %add3A_327 : i32
    %scan3A_329 = arith.constant 0 : i32
    %scan3A_330 = arith.constant 0 : i32
    %scan3A_331 = arith.constant 32 : i32
    %scan3A_332 = arith.addi %scan3A_330, %scan3A_331 : i32
    %scan3A_333 = arith.constant 1 : i32
    scf.for %scan3A_382 = %scan3A_330 to %scan3A_332 step %scan3A_333  : i32 {
      %mul3A_383 = arith.constant 50 : i32
      %mul3A_384 = arith.muli %scan3A_382, %mul3A_383 : i32
      %add3A_385 = arith.addi %add3A_328, %scan3A_382 : i32
      %dma_start3A_386 = arith.constant 0 : i32
      %dma_start3A_387 = tpu.memref_slice %arg8[%mul3A_384, %dma_start3A_386] : memref<1600x32xf32, #tpu.memory_space<vmem>> -> memref<50x32xf32, #tpu.memory_space<vmem>>
      %dma_start3A_388 = arith.constant 0 : i32
      %dma_start3A_389 = arith.constant 0 : i32
      %dma_start3A_390 = tpu.memref_slice %arg4[%add3A_385, %dma_start3A_388, %dma_start3A_389] : memref<16384x50x32xf32, #tpu.memory_space<hbm>> -> memref<1x50x32xf32, #tpu.memory_space<hbm>>
      %dma_start3A_391 = tpu.memref_squeeze %dma_start3A_390 : memref<1x50x32xf32, #tpu.memory_space<hbm>> -> memref<50x32xf32, #tpu.memory_space<hbm>>
      %dma_start3A_392 = arith.constant 0 : i32
      %dma_start3A_393 = arith.constant 0 : i32
      %dma_start3A_394 = tpu.memref_slice %arg4[%add3A_385, %dma_start3A_392, %dma_start3A_393] : memref<16384x50x32xf32, #tpu.memory_space<hbm>> -> memref<1x50x32xf32, #tpu.memory_space<hbm>>
      %dma_start3A_395 = tpu.memref_squeeze %dma_start3A_394 : memref<1x50x32xf32, #tpu.memory_space<hbm>> -> memref<50x32xf32, #tpu.memory_space<hbm>>
      %dma_start3A_396 = arith.constant 0 : i32
      %dma_start3A_397 = tpu.memref_slice %arg8[%mul3A_384, %dma_start3A_396] : memref<1600x32xf32, #tpu.memory_space<vmem>> -> memref<50x32xf32, #tpu.memory_space<vmem>>
      tpu.enqueue_dma source(%dma_start3A_397 : memref<50x32xf32, #tpu.memory_space<vmem>>) target(%dma_start3A_395 : memref<50x32xf32, #tpu.memory_space<hbm>>) target_semaphore(%arg12 : memref<!tpu.dma_semaphore, #tpu.memory_space<semaphore_mem>>)
    }
    %scan3A_334 = arith.constant 32 : i32
    %add3A_335 = arith.constant 480 : i32
    %add3A_336 = arith.addi %mul3A_2, %add3A_335 : i32
    %mul3A_337 = arith.constant 50 : i32
    %mul3A_338 = arith.muli %add3A_336, %mul3A_337 : i32
    "tpu.region"() ({
      %run_scoped3A = tpu.sem_alloc : memref<!tpu.dma_semaphore, #tpu.memory_space<semaphore_mem>>
      %dma_start3A_382 = tpu.memref_slice %arg2[%mul3A_338] : memref<819200xi32, #tpu.memory_space<hbm>> -> memref<1600xi32, #tpu.memory_space<hbm>>
      %dma_start3A_383 = tpu.memref_slice %arg2[%mul3A_338] : memref<819200xi32, #tpu.memory_space<hbm>> -> memref<1600xi32, #tpu.memory_space<hbm>>
      tpu.enqueue_dma source(%dma_start3A_383 : memref<1600xi32, #tpu.memory_space<hbm>>) target(%arg6 : memref<1600xi32, #tpu.memory_space<vmem>>) target_semaphore(%run_scoped3A : memref<!tpu.dma_semaphore, #tpu.memory_space<semaphore_mem>>)
      %dma_wait3A_384 = tpu.memref_slice %arg2[%mul3A_338] : memref<819200xi32, #tpu.memory_space<hbm>> -> memref<1600xi32, #tpu.memory_space<hbm>>
      %dma_wait3A_385 = tpu.memref_slice %arg2[%mul3A_338] : memref<819200xi32, #tpu.memory_space<hbm>> -> memref<1600xi32, #tpu.memory_space<hbm>>
      tpu.wait_dma2 semaphore(%run_scoped3A : memref<!tpu.dma_semaphore, #tpu.memory_space<semaphore_mem>>) src(%dma_wait3A_385 : memref<1600xi32, #tpu.memory_space<hbm>>) dst(%arg6 : memref<1600xi32, #tpu.memory_space<vmem>>)
      tpu.yield
    }) : () -> ()
    %dma_wait3A_339 = arith.constant 0 : i32
    %dma_wait3A_340 = arith.constant 0 : i32
    %dma_wait3A_341 = tpu.memref_slice %arg3[%dma_wait3A_339, %dma_wait3A_340] : memref<1000000x32xf32, #tpu.memory_space<hbm>> -> memref<1600x32xf32, #tpu.memory_space<hbm>>
    %dma_wait3A_342 = arith.constant 0 : i32
    %dma_wait3A_343 = arith.constant 0 : i32
    %dma_wait3A_344 = tpu.memref_slice %arg3[%dma_wait3A_342, %dma_wait3A_343] : memref<1000000x32xf32, #tpu.memory_space<hbm>> -> memref<1600x32xf32, #tpu.memory_space<hbm>>
    tpu.wait_dma2 semaphore(%arg12 : memref<!tpu.dma_semaphore, #tpu.memory_space<semaphore_mem>>) src(%dma_wait3A_344 : memref<1600x32xf32, #tpu.memory_space<hbm>>) dst(%arg8 : memref<1600x32xf32, #tpu.memory_space<vmem>>)
    %dma_start3A_345 = arith.constant 0 : i32
    %dma_start3A_346 = arith.constant 0 : i32
    %dma_start3A_347 = tpu.memref_slice %arg3[%dma_start3A_345, %dma_start3A_346] : memref<1000000x32xf32, #tpu.memory_space<hbm>> -> memref<1000000x32xf32, #tpu.memory_space<hbm>>
    tpu.enqueue_indirect_dma source(%dma_start3A_347 : memref<1000000x32xf32, #tpu.memory_space<hbm>>) target(%arg8 : memref<1600x32xf32, #tpu.memory_space<vmem>>) offsets(%arg6 : memref<1600xi32, #tpu.memory_space<vmem>>) semaphore(%arg10 : memref<!tpu.dma_semaphore, #tpu.memory_space<semaphore_mem>>)
    %dma_wait3A_348 = arith.constant 0 : i32
    %dma_wait3A_349 = arith.constant 0 : i32
    %dma_wait3A_350 = tpu.memref_slice %arg3[%dma_wait3A_348, %dma_wait3A_349] : memref<1000000x32xf32, #tpu.memory_space<hbm>> -> memref<1000000x32xf32, #tpu.memory_space<hbm>>
    tpu.wait_indirect_dma semaphore(%arg9 : memref<!tpu.dma_semaphore, #tpu.memory_space<semaphore_mem>>) src(%dma_wait3A_350 : memref<1000000x32xf32, #tpu.memory_space<hbm>>) dst(%arg7 : memref<1600x32xf32, #tpu.memory_space<vmem>>)
    %add3A_351 = arith.constant 448 : i32
    %add3A_352 = arith.addi %mul3A_2, %add3A_351 : i32
    %scan3A_353 = arith.constant 0 : i32
    %scan3A_354 = arith.constant 0 : i32
    %scan3A_355 = arith.constant 32 : i32
    %scan3A_356 = arith.addi %scan3A_354, %scan3A_355 : i32
    %scan3A_357 = arith.constant 1 : i32
    scf.for %scan3A_382 = %scan3A_354 to %scan3A_356 step %scan3A_357  : i32 {
      %mul3A_383 = arith.constant 50 : i32
      %mul3A_384 = arith.muli %scan3A_382, %mul3A_383 : i32
      %add3A_385 = arith.addi %add3A_352, %scan3A_382 : i32
      %dma_start3A_386 = arith.constant 0 : i32
      %dma_start3A_387 = tpu.memref_slice %arg7[%mul3A_384, %dma_start3A_386] : memref<1600x32xf32, #tpu.memory_space<vmem>> -> memref<50x32xf32, #tpu.memory_space<vmem>>
      %dma_start3A_388 = arith.constant 0 : i32
      %dma_start3A_389 = arith.constant 0 : i32
      %dma_start3A_390 = tpu.memref_slice %arg4[%add3A_385, %dma_start3A_388, %dma_start3A_389] : memref<16384x50x32xf32, #tpu.memory_space<hbm>> -> memref<1x50x32xf32, #tpu.memory_space<hbm>>
      %dma_start3A_391 = tpu.memref_squeeze %dma_start3A_390 : memref<1x50x32xf32, #tpu.memory_space<hbm>> -> memref<50x32xf32, #tpu.memory_space<hbm>>
      %dma_start3A_392 = arith.constant 0 : i32
      %dma_start3A_393 = arith.constant 0 : i32
      %dma_start3A_394 = tpu.memref_slice %arg4[%add3A_385, %dma_start3A_392, %dma_start3A_393] : memref<16384x50x32xf32, #tpu.memory_space<hbm>> -> memref<1x50x32xf32, #tpu.memory_space<hbm>>
      %dma_start3A_395 = tpu.memref_squeeze %dma_start3A_394 : memref<1x50x32xf32, #tpu.memory_space<hbm>> -> memref<50x32xf32, #tpu.memory_space<hbm>>
      %dma_start3A_396 = arith.constant 0 : i32
      %dma_start3A_397 = tpu.memref_slice %arg7[%mul3A_384, %dma_start3A_396] : memref<1600x32xf32, #tpu.memory_space<vmem>> -> memref<50x32xf32, #tpu.memory_space<vmem>>
      tpu.enqueue_dma source(%dma_start3A_397 : memref<50x32xf32, #tpu.memory_space<vmem>>) target(%dma_start3A_395 : memref<50x32xf32, #tpu.memory_space<hbm>>) target_semaphore(%arg11 : memref<!tpu.dma_semaphore, #tpu.memory_space<semaphore_mem>>)
    }
    %scan3A_358 = arith.constant 32 : i32
    %dma_wait3A_359 = arith.constant 0 : i32
    %dma_wait3A_360 = arith.constant 0 : i32
    %dma_wait3A_361 = tpu.memref_slice %arg3[%dma_wait3A_359, %dma_wait3A_360] : memref<1000000x32xf32, #tpu.memory_space<hbm>> -> memref<1000000x32xf32, #tpu.memory_space<hbm>>
    tpu.wait_indirect_dma semaphore(%arg10 : memref<!tpu.dma_semaphore, #tpu.memory_space<semaphore_mem>>) src(%dma_wait3A_361 : memref<1000000x32xf32, #tpu.memory_space<hbm>>) dst(%arg8 : memref<1600x32xf32, #tpu.memory_space<vmem>>)
    %add3A_362 = arith.constant 480 : i32
    %add3A_363 = arith.addi %mul3A_2, %add3A_362 : i32
    %scan3A_364 = arith.constant 0 : i32
    %scan3A_365 = arith.constant 0 : i32
    %scan3A_366 = arith.constant 32 : i32
    %scan3A_367 = arith.addi %scan3A_365, %scan3A_366 : i32
    %scan3A_368 = arith.constant 1 : i32
    scf.for %scan3A_382 = %scan3A_365 to %scan3A_367 step %scan3A_368  : i32 {
      %mul3A_383 = arith.constant 50 : i32
      %mul3A_384 = arith.muli %scan3A_382, %mul3A_383 : i32
      %add3A_385 = arith.addi %add3A_363, %scan3A_382 : i32
      %dma_start3A_386 = arith.constant 0 : i32
      %dma_start3A_387 = tpu.memref_slice %arg8[%mul3A_384, %dma_start3A_386] : memref<1600x32xf32, #tpu.memory_space<vmem>> -> memref<50x32xf32, #tpu.memory_space<vmem>>
      %dma_start3A_388 = arith.constant 0 : i32
      %dma_start3A_389 = arith.constant 0 : i32
      %dma_start3A_390 = tpu.memref_slice %arg4[%add3A_385, %dma_start3A_388, %dma_start3A_389] : memref<16384x50x32xf32, #tpu.memory_space<hbm>> -> memref<1x50x32xf32, #tpu.memory_space<hbm>>
      %dma_start3A_391 = tpu.memref_squeeze %dma_start3A_390 : memref<1x50x32xf32, #tpu.memory_space<hbm>> -> memref<50x32xf32, #tpu.memory_space<hbm>>
      %dma_start3A_392 = arith.constant 0 : i32
      %dma_start3A_393 = arith.constant 0 : i32
      %dma_start3A_394 = tpu.memref_slice %arg4[%add3A_385, %dma_start3A_392, %dma_start3A_393] : memref<16384x50x32xf32, #tpu.memory_space<hbm>> -> memref<1x50x32xf32, #tpu.memory_space<hbm>>
      %dma_start3A_395 = tpu.memref_squeeze %dma_start3A_394 : memref<1x50x32xf32, #tpu.memory_space<hbm>> -> memref<50x32xf32, #tpu.memory_space<hbm>>
      %dma_start3A_396 = arith.constant 0 : i32
      %dma_start3A_397 = tpu.memref_slice %arg8[%mul3A_384, %dma_start3A_396] : memref<1600x32xf32, #tpu.memory_space<vmem>> -> memref<50x32xf32, #tpu.memory_space<vmem>>
      tpu.enqueue_dma source(%dma_start3A_397 : memref<50x32xf32, #tpu.memory_space<vmem>>) target(%dma_start3A_395 : memref<50x32xf32, #tpu.memory_space<hbm>>) target_semaphore(%arg12 : memref<!tpu.dma_semaphore, #tpu.memory_space<semaphore_mem>>)
    }
    %scan3A_369 = arith.constant 32 : i32
    %dma_wait3A_370 = arith.constant 0 : i32
    %dma_wait3A_371 = arith.constant 0 : i32
    %dma_wait3A_372 = tpu.memref_slice %arg3[%dma_wait3A_370, %dma_wait3A_371] : memref<1000000x32xf32, #tpu.memory_space<hbm>> -> memref<1600x32xf32, #tpu.memory_space<hbm>>
    %dma_wait3A_373 = arith.constant 0 : i32
    %dma_wait3A_374 = arith.constant 0 : i32
    %dma_wait3A_375 = tpu.memref_slice %arg3[%dma_wait3A_373, %dma_wait3A_374] : memref<1000000x32xf32, #tpu.memory_space<hbm>> -> memref<1600x32xf32, #tpu.memory_space<hbm>>
    tpu.wait_dma2 semaphore(%arg11 : memref<!tpu.dma_semaphore, #tpu.memory_space<semaphore_mem>>) src(%dma_wait3A_375 : memref<1600x32xf32, #tpu.memory_space<hbm>>) dst(%arg7 : memref<1600x32xf32, #tpu.memory_space<vmem>>)
    %dma_wait3A_376 = arith.constant 0 : i32
    %dma_wait3A_377 = arith.constant 0 : i32
    %dma_wait3A_378 = tpu.memref_slice %arg3[%dma_wait3A_376, %dma_wait3A_377] : memref<1000000x32xf32, #tpu.memory_space<hbm>> -> memref<1600x32xf32, #tpu.memory_space<hbm>>
    %dma_wait3A_379 = arith.constant 0 : i32
    %dma_wait3A_380 = arith.constant 0 : i32
    %dma_wait3A_381 = tpu.memref_slice %arg3[%dma_wait3A_379, %dma_wait3A_380] : memref<1000000x32xf32, #tpu.memory_space<hbm>> -> memref<1600x32xf32, #tpu.memory_space<hbm>>
    tpu.wait_dma2 semaphore(%arg12 : memref<!tpu.dma_semaphore, #tpu.memory_space<semaphore_mem>>) src(%dma_wait3A_381 : memref<1600x32xf32, #tpu.memory_space<hbm>>) dst(%arg8 : memref<1600x32xf32, #tpu.memory_space<vmem>>)
    return
  }
}

</mosaic_0001>

<sc_bundles>
// kernel: kernel.3.cloned.1.call-start
scs
__scs_entry_jumppad:
0x0: {  	(pc) =	sbr.rel $0x88, $3  }
0x1: {  	(tag) =	ssettag $0x0;
	lr =	simm.s32 $0x1  }
0x2: {  	[smem:$0x3F9F] =	sst lr;
	_ =	strace $0xD0000000  }
0x3: {  	_ = 	snop  }
0x4: {  	_ = 	snop  }
0x5: {  	_ = 	snop  }
0x6: {  	_ = 	snop  }
0x7: {  	_ = 	snop  }
__scs_overlays_trampoline_lowered:
0x8: {  	[smem:$0x3FAE] =	sst s0  }
0x9: {  	[smem:$0x3FAF] =	sst s1  }
0xa: {  	[smem:$0x3FB0] =	sst s2  }
0xb: {  	[smem:$0x3FB1] =	sst s3  }
0xc: {  	[smem:$0x3FB2] =	sst s4  }
0xd: {  	[smem:$0x3FB3] =	sst s5  }
0xe: {  	[smem:$0x3FB4] =	sst s6  }
0xf: {  	[smem:$0x3FB5] =	sst s7  }
0x10: {  	[smem:$0x3FB6] =	sst s8  }
0x11: {  	[smem:$0x3FB7] =	sst s9;
	s0 =	simm.s32 @!p0 $0x0  }
0x12: {  	s1 =	sld [smem:$0x3F9D];
	s0 =	simm.s32 @p0 $0x1  }
0x13: {  	[smem:$0x3FB8] =	sst s0;
	s0 =	simm.s32 @!p1 $0x0  }
0x14: {  	s2 =	sld [smem:$0x3F9C];
	s0 =	simm.s32 @p1 $0x1  }
0x15: {  	[smem:$0x3FB9] =	sst s0;
	s0 =	simm.s32 @!p2 $0x0  }
0x16: {  	s3 =	sld [smem:$0x3FDB];
	s0 =	simm.s32 @p2 $0x1  }
0x17: {  	s4 =	simm.s32 $0x1BF5;
	[smem:$0x3FBB] =	sst s0  }
0x18: {  	s0 =	sld [smem:$0x3F9E];
	_ =	swait.ge [sflag:s4], $0x0  }
0x19: {  	s7 =	sld [smem:$0x3F9F]  }
0x1a: {  	s8 =	sadd.s32 $0xFFFFE003, lr  }
0x1b: {  	s9 =	sadd.s32 $0xFFFFFEF7, lr;
	s5 =	simm.s32 $0xFFFFFFFF;
	p2 =	slt.u32 s8, $0xFFFFF086  }
0x1c: {  	p1 =	slt.u32 s9, $0xF7A;
	s5 =	simm.s32 @!p2 $0x0  }
0x1d: {  	s5 =	simm.s32 @p1 $0x1;
	p0 =	seq.s32 s7, s2  }
0x1e: {  	s7 =	smul.u32 @!p0 $0xF7A, s2;
	p2 =	seq.s32 @!p0 s5, $0x0  }
0x1f: {  	s9 =	smul.u32 $0xF7A, s1;
	s8 =	simm.s32 @!p0 $0x1BF5;
	p2 =	por !p2, p0  }
0x20: {  	[sflag:s8] =	ssyncset.s32 @!p0 $0xFFFFF086;
	s6 =	sadd.s32 @!p0 s3, s7;
	s7 =	simm.s32 @!p0 $0x108  }
0x21: {  	s3 =	sadd.s32 s3, s9;
	s6 =	sadd.s32 @!p0 $0x88, s6;
	s7 =	simm.s32 @p2 $0x1082  }
0x22: {  	[simem:s7], [sflag:s8] =	dma.local @!p0 [hbm:s6], $0xF7A  }
0x23: {  	s9 =	sor.u32 $0xD0000000, s2;
	s6 =	simm.s32 $0x108;
	_ =	swait.ge @!p0 [sflag:s8], $0x0  }
0x24: {  	s3 =	sadd.s32 $0x88, s3;
	s6 =	simm.s32 @!p1 $0x1082;
	[sflag:s4] =	ssyncset.s32 $0xFFFFF086  }
0x25: {  	[simem:s6], [sflag:s4] =	dma.local [hbm:s3], $0xF7A  }
0x26: {  	[smem:$0x3F9F] =	sst s1;
	(tag) =	ssettag s2;
	_ =	strace s9  }
0x27: {  	s1 =	sld [smem:$0x3FAF]  }
0x28: {  	s2 =	sld [smem:$0x3FB0]  }
0x29: {  	s4 =	sld [smem:$0x3FB2]  }
0x2a: {  	p0 =	seq.s32 s5, $0x0;
	s5 =	sld [smem:$0x3FB3]  }
0x2b: {  	s6 =	sld [smem:$0x3FB4]  }
0x2c: {  	s7 =	sld [smem:$0x3FB5]  }
0x2d: {  	s3 =	simm.s32 $0x108;
	s8 =	sld [smem:$0x3FB6]  }
0x2e: {  	s3 =	simm.s32 @!p0 $0x1082;
	s9 =	sld [smem:$0x3FB7]  }
0x2f: {  	lr =	sadd.s32 s0, s3;
	s0 =	sld [smem:$0x3FAE]  }
0x30: {  	s3 =	sld [smem:$0x3FB1]  }
0x31: {  	[smem:$0x3FBA] =	sst s10  }
0x32: {  	s10 =	sld [smem:$0x3FB8];
	_ =	sdelay $0x3  }
0x33: {  	p0 =	seq.s32 s10, $0x1;
	s10 =	sld [smem:$0x3FBA];
	_ =	sdelay $0x3  }
0x34: {  	[smem:$0x3FBA] =	sst s10  }
0x35: {  	s10 =	sld [smem:$0x3FB9];
	_ =	sdelay $0x3  }
0x36: {  	p1 =	seq.s32 s10, $0x1;
	s10 =	sld [smem:$0x3FBA];
	_ =	sdelay $0x3  }
0x37: {  	[smem:$0x3FBA] =	sst s10  }
0x38: {  	s10 =	sld [smem:$0x3FBB]  }
0x39: {  	_ = 	snop;
	(pc) =	sbr.ind lr, $3  }
0x3a: {  	_ = 	snop  }
0x3b: {  	_ = 	snop  }
0x3c: {  	p2 =	seq.s32 s10, $0x1;
	s10 =	sld [smem:$0x3FBA]  }
0x3d: {  	_ =	shalt  }
0x3e: {  	_ =	shalt  }
0x3f: {  	_ =	shalt  }
0x40: {  	_ =	shalt  }
0x41: {  	_ =	shalt  }
0x42: {  	_ =	shalt  }
0x43: {  	_ =	shalt  }
0x44: {  	_ =	shalt  }
0x45: {  	_ =	shalt  }
0x46: {  	_ =	shalt  }
0x47: {  	_ =	shalt  }
0x48: {  	_ =	shalt  }
0x49: {  	_ =	shalt  }
0x4a: {  	_ =	shalt  }
0x4b: {  	_ =	shalt  }
0x4c: {  	_ =	shalt  }
0x4d: {  	_ =	shalt  }
0x4e: {  	_ =	shalt  }
0x4f: {  	_ =	shalt  }
0x50: {  	_ =	shalt  }
0x51: {  	_ =	shalt  }
0x52: {  	_ =	shalt  }
0x53: {  	_ =	shalt  }
0x54: {  	_ =	shalt  }
0x55: {  	_ =	shalt  }
0x56: {  	_ =	shalt  }
0x57: {  	_ =	shalt  }
0x58: {  	_ =	shalt  }
0x59: {  	_ =	shalt  }
0x5a: {  	_ =	shalt  }
0x5b: {  	_ =	shalt  }
0x5c: {  	_ =	shalt  }
0x5d: {  	_ =	shalt  }
0x5e: {  	_ =	shalt  }
0x5f: {  	_ =	shalt  }
0x60: {  	_ =	shalt  }
0x61: {  	_ =	shalt  }
0x62: {  	_ =	shalt  }
0x63: {  	_ =	shalt  }
0x64: {  	_ =	shalt  }
0x65: {  	_ =	shalt  }
0x66: {  	_ =	shalt  }
0x67: {  	_ =	shalt  }
0x68: {  	_ =	shalt  }
0x69: {  	_ =	shalt  }
0x6a: {  	_ =	shalt  }
0x6b: {  	_ =	shalt  }
0x6c: {  	_ =	shalt  }
0x6d: {  	_ =	shalt  }
0x6e: {  	_ =	shalt  }
0x6f: {  	_ =	shalt  }
0x70: {  	_ =	shalt  }
0x71: {  	_ =	shalt  }
0x72: {  	_ =	shalt  }
0x73: {  	_ =	shalt  }
0x74: {  	_ =	shalt  }
0x75: {  	_ =	shalt  }
0x76: {  	_ =	shalt  }
0x77: {  	_ =	shalt  }
0x78: {  	_ =	shalt  }
0x79: {  	_ =	shalt  }
0x7a: {  	_ =	shalt  }
0x7b: {  	_ =	shalt  }
0x7c: {  	_ =	shalt  }
0x7d: {  	_ =	shalt  }
0x7e: {  	_ =	shalt  }
0x7f: {  	_ =	shalt  }
0x80: {  	_ =	shalt  }
0x81: {  	_ =	shalt  }
0x82: {  	_ =	shalt  }
0x83: {  	_ =	shalt  }
0x84: {  	_ =	shalt  }
0x85: {  	_ =	shalt  }
0x86: {  	_ =	shalt  }
0x87: {  	_ =	shalt  }
.Lfunc_end0:
.L_simem_size_0:
called_computation.1_lowered:
.L_overlay_start_0:
0x88: {  	s2 =	sld [smem:$0x3FD9]  }
0x89: {  	s3 =	sld [smem:$0x3FFE];
	_ =	sdelay $0x1  }
0x8a: {  	s1 =	srdreg.scid  }
0x8b: {  	s0 =	sand.u32 $0x1, s1  }
0x8c: {  	s17 =	sshll.u32 s0, $0xA;
	s2 =	sadd.s32 s3, s2  }
0x8d: {  	s2 =	sadd.s32 s2, s17  }
0x8e: {  	[smem:$0x3FC6] =	sst s2  }
0x8f: {  	_ = 	snop  }
0x90: {  	s2 =	sld [smem:$0x3FD0];
	(tm) =	ssettm $0x1  }
0x91: {  	s18 =	sld [smem:$0x3FFB];
	_ =	sdelay $0x3  }
0x92: {  	_ =	strace s18  }
0x93: {  	s3 =	sld [smem:$0x3FFC];
	_ =	sdelay $0x3  }
0x94: {  	_ =	strace s3  }
0x95: {  	s3 =	sld [smem:$0x3FFD];
	_ =	sdelay $0x3  }
0x96: {  	_ =	strace s3  }
0x97: {  	_ =	strace $0x8FFFFFFF  }
0x98: {  	s19 =	sld [smem:$0x3FDB];
	_ =	sdelay $0x1  }
0x99: {  	s4 =	simm.s32 $_scs_section_size  }
0x9a: {  	s5 =	simm.s32 $_size__tile_overlayer_lowered;
	s6 =	simm.s32 $_tile_overlayer_lowered  }
0x9b: {  	s22 =	simm.s32 $0x1BFF;
	s21 =	sshll.u32 s6, $0x1;
	s3 =	sadd.s32 s4, s19  }
0x9c: {  	s7 =	simm.s32 $0x0;
	s20 =	sshll.u32 s5, $0x1;
	s5 =	sadd.s32 s21, s3  }
0x9d: {  	[timem:s7], [sflag:s22] =	dma.local [hbm:s5], s20  }
0x9e: {  	_ =	swait.ge [sflag:s22], s20  }
0x9f: {  	s4 =	ssub.s32 $0x0, s20;
	[sflag:s22] =	ssyncset.done $0x0  }
0xa0: {  	[sflag:s22] =	ssyncadd.s32 s4;
	_ =	sdelay $0x1  }
0xa1: {  	s23 =	simm.s32 $0x1B8B  }
0xa2: {  	_ =	swait.ge [sflag:s23], $0x1  }
0xa3: {  	[sflag:s23] =	ssyncset.done $0x0  }
0xa4: {  	s25 =	simm.s32 $0x1B8E;
	s24 =	sld [smem:$0x3FFE];
	[sflag:s23] =	ssyncadd.s32 $0xFFFFFFFF  }
0xa5: {  	s26 =	simm.s32 $execute0_lowered;
	[smem:$0x3FD2] =	sst s25  }
0xa6: {  	s5 =	sshll.u32 s26, $0x1;
	_ =	strace $0x80000046;
	[dreg:$0x1] =	wrdreg $0xFFFFFFFF  }
0xa7: {  	s28 =	simm.s32 $_size_execute0_lowered;
	s3 =	sadd.s32 s3, s5;
	[dreg:$0x0] =	wrdreg $0x0  }
0xa8: {  	s5 =	sshll.u32 s28, $0x1;
	[dreg:$0x2] =	wrdreg s3  }
0xa9: {  	[dreg:$0x3] =	wrdreg s5  }
0xaa: {  	[dreg:$0x4] =	wrdreg $0xC0  }
0xab: {  	_ =	task [dreg:s7], $0x5FFFF  }
0xac: {  	[dreg:$0x1] =	wrdreg $0xFFFFFFFF  }
0xad: {  	[dreg:$0x0] =	wrdreg $0x60  }
0xae: {  	[dreg:$0x2] =	wrdreg s24  }
0xaf: {  	[dreg:$0x3] =	wrdreg s2  }
0xb0: {  	[dreg:$0x4] =	wrdreg $0x9  }
0xb1: {  	_ =	task.clear_ibuf [dreg:s7], $0x5FFFF;
	_ =	strace $0x90000046  }
0xb2: {  	s29 =	simm.s32 $0x9;
	_ =	strace $0x80000048  }
0xb3: {  	_ =	swait.ge [sflag:s29], $0x1  }
0xb4: {  	[sflag:s29] =	ssyncadd.s32 $0xFFFFFFFF  }
0xb5: {  	_ =	strace $0x90000048  }
0xb6: {  	_ =	sfence  }
0xb7: {  	s30 =	sld [smem:$0x0];
	_ =	sdelay $0x2  }
0xb8: {  	s31 =	sshll.u32 s1, $0xD;
	s1 =	sshrl.u32 s1, $0x2  }
0xb9: {  	s3 =	sand.u32 $0x4000, s31;
	s1 =	sadd.s32 s1, s30  }
0xba: {  	s0 =	sor.u32 s3, s0;
	s1 =	sshll.u32 s1, $0x11  }
0xbb: {  	s0 =	sor.u32 s1, s0  }
0xbc: {  	s0 =	sadd.s32 $0x8F2B, s0  }
0xbd: {  	[sflag:s0] =	ssyncadd.remote.s32 $0x1  }
0xbe: {  	_ =	sfence.sel $0xFFFF  }
0xbf: {  	[dreg:$0x0] =	wrdreg $0xFFFFFFFF;
	(pc) =	sbr.abs _section_cstart, $3  }
0xc0: {  	[dreg:$0x1] =	wrdreg $0xFFFFFFFF  }
0xc1: {  	_ =	task.clear_ibuf [dreg:s7], $0x2FFFF;
	_ =	strace $0x9FFFFFFF  }
0xc2: {  	(tm) =	ssettm $0x7FFFFFFF  }
0xc3: {  	_ =	shalt  }
tec
execute0_lowered:
.L_overlay_start_1:
0x0: {  	(tag) =	ssettag $0x1  }
0x1: {  	s3 =	rddreg [dreg:$0x0]  }
0x2: {  	s1 =	srdreg.scid;
	s11 =	stileid.u32;
	s2 =	simm.s32 $0x0  }
0x3: {  	s1 =	sand.u32 $0x1, s1;
	s4 =	sshll.u32 s11, $0x1;
	[smem:$0x7FF] =	sst s2  }
0x4: {  	s0 =	rddreg [dreg:$0x1];
	s5 =	sor.u32 s1, s4;
	_ =	strace $0x80000047  }
0x5: {  	s8 =	ssub.s32 $0x2, s1;
	s1 =	smul.u32 $0x19000, s1;
	s6 =	sshll.u32 s5, $0x9  }
0x6: {  	s4 =	sadd.s32 $0xA00, s3;
	s5 =	smul.u32 $0xC80, s5;
	s7 =	sor.u32 $0x20, s6  }
0x7: {  	s3 =	sadd.s32 $0xF42E00, s3;
	s9 =	sor.u32 $0x40, s6;
	s7 =	smul.u32 $0x32, s7  }
0x8: {  	s10 =	sshrl.u32 s8, $0x1;
	s20 =	sor.u32 $0xA0, s6;
	s9 =	smul.u32 $0x32, s9  }
0x9: {  	s8 =	ssub.s32 s8, s10;
	s23 =	sor.u32 $0xE0, s6;
	s21 =	smul.u32 $0x32, s20  }
0xa: {  	s17 =	sor.u32 $0x60, s6;
	s25 =	sor.u32 $0x100, s6;
	s24 =	smul.u32 $0x32, s23  }
0xb: {  	s19 =	sor.u32 $0x80, s6;
	s15 =	sor.u32 $0x160, s6;
	s10 =	smul.u32 $0x32, s25  }
0xc: {  	s22 =	sor.u32 $0xC0, s6;
	s14 =	sor.u32 $0x140, s6;
	s16 =	smul.u32 $0x32, s15  }
0xd: {  	s5 =	sadd.s32 s4, s5;
	s20 =	sor.u32 $0x1C0, s6;
	s23 =	smul.u32 $0x32000, s11  }
0xe: {  	s11 =	simm.s32 $0x1;
	s15 =	simm.s32 $0x4;
	[dreg:$0x3] =	wrdreg s5  }
0xf: {  	s5 =	smul.u32 $0x32, s17;
	s17 =	sor.u32 $0x180, s6;
	s7 =	sshrl.u32 s7, $0x3  }
0x10: {  	s9 =	sshrl.u32 s9, $0x3;
	s12 =	sshrl.u32 s10, $0x3;
	s10 =	smul.u32 $0x32, s20  }
0x11: {  	s0 =	sadd.s32 s23, s0;
	s7 =	sadd.s32 s4, s7;
	s18 =	sadd.s32 s4, s9  }
0x12: {  	s5 =	sshrl.u32 s5, $0x3;
	s9 =	smul.u32 $0x32, s22;
	[dreg:$0x4] =	wrdreg s7  }
0x13: {  	s13 =	sadd.s32 s4, s12;
	s12 =	simm.s32 $0x3;
	[dreg:$0x5] =	wrdreg s18  }
0x14: {  	s7 =	smul.u32 $0x32, s19;
	s5 =	sadd.s32 s4, s5;
	[dreg:$0xb] =	wrdreg s13  }
0x15: {  	s18 =	sor.u32 $0x1A0, s6;
	s13 =	simm.s32 $0xC80;
	[dreg:$0x6] =	wrdreg s5  }
0x16: {  	s5 =	sshrl.u32 s21, $0x3;
	s9 =	sshrl.u32 s9, $0x3;
	s19 =	smul.u32 $0x32, s18  }
0x17: {  	s5 =	sadd.s32 s4, s5;
	s26 =	sadd.s32 s4, s9;
	s9 =	sor.u32 $0x120, s6  }
0x18: {  	s7 =	sshrl.u32 s7, $0x3;
	[dreg:$0x8] =	wrdreg s5;
	s5 =	smul.u32 $0x32, s9  }
0x19: {  	s6 =	sor.u32 $0x1E0, s6;
	s7 =	sadd.s32 s4, s7;
	s9 =	smul.u32 $0x32, s17  }
0x1a: {  	[dreg:$0x9] =	wrdreg s26;
	s6 =	smul.u32 $0x32, s6;
	s22 =	sshrl.u32 s19, $0x3  }
0x1b: {  	s26 =	smax.u32 s8, $0x1;
	s8 =	simm.s32 $0x5;
	[dreg:$0x7] =	wrdreg s7  }
0x1c: {  	s7 =	sshrl.u32 s24, $0x3;
	s24 =	sshrl.u32 s10, $0x3;
	[dreg:$0x13] =	wrdreg s26  }
0x1d: {  	s10 =	simm.s32 $0xD480;
	s7 =	sadd.s32 s4, s7;
	s5 =	sshrl.u32 s5, $0x3  }
0x1e: {  	[dreg:$0xa] =	wrdreg s7;
	s7 =	smul.u32 $0x32, s14;
	s5 =	sadd.s32 s4, s5  }
0x1f: {  	s21 =	sshrl.u32 s9, $0x3;
	[dreg:$0xc] =	wrdreg s5;
	s5 =	sshrl.u32 s16, $0x3  }
0x20: {  	s25 =	sshrl.u32 s6, $0x3;
	s7 =	sshrl.u32 s7, $0x3;
	s5 =	sadd.s32 s4, s5  }
0x21: {  	s9 =	simm.s32 $0x640;
	s7 =	sadd.s32 s4, s7;
	[dreg:$0xe] =	wrdreg s5  }
0x22: {  	s14 =	simm.s32 $0x2;
	s5 =	sadd.s32 s4, s21;
	[dreg:$0xd] =	wrdreg s7  }
0x23: {  	s16 =	simm.s32 $0x0;
	s21 =	sadd.s32 s1, s0;
	[dreg:$0xf] =	wrdreg s5  }
0x24: {  	s5 =	sadd.s32 s4, s22;
	s22 =	sadd.s32 $0x1900, s21;
	s23 =	sadd.s32 $0x3200, s21  }
0x25: {  	s26 =	sadd.s32 $0x7D00, s21;
	s28 =	sadd.s32 $0x9600, s21;
	s29 =	sadd.s32 $0xAF00, s21  }
0x26: {  	s30 =	sadd.s32 $0xC800, s21;
	s31 =	sadd.s32 $0xE100, s21;
	s0 =	sadd.s32 $0xFA00, s21  }
0x27: {  	s1 =	sadd.s32 $0x11300, s21;
	s6 =	sadd.s32 $0x15E00, s21;
	s7 =	sadd.s32 $0x17700, s21  }
0x28: {  	[dreg:$0x10] =	wrdreg s5;
	s5 =	sadd.s32 s4, s24;
	s4 =	sadd.s32 s4, s25  }
0x29: {  	s24 =	sadd.s32 $0x4B00, s21;
	s25 =	sadd.s32 $0x6400, s21;
	[dreg:$0x11] =	wrdreg s5  }
0x2a: {  	[dreg:$0x12] =	wrdreg s4;
	s4 =	sadd.s32 $0x12C00, s21;
	s5 =	sadd.s32 $0x14500, s21  }
.LBB2_1:
0x2b: {  	s17 =	rddreg [dreg:$0x3]  }
0x2c: {  	[tilespmem:s2], [sflag:$0x5] =	stream.linear.gather [hbm4b:s17+s2], $0x640, $0x38;
	[tilespmem:$0x19C80] =	vst v63  }
0x2d: {  	_ =	swait.ge [sflag:s8], $0x640  }
0x2e: {  	[sflag:s8] =	ssyncset.done $0x0  }
0x2f: {  	[sflag:s8] =	ssyncadd.s32 $0xFFFFF9C0  }
0x30: {  	[tilespmem:s13], [sflag:$0x1] =	stream.indirect.gather [hbm4b:s3+s9], $0x20, s2, s9, $0xb8;
	[tilespmem:$0x19C80] =	vst v63  }
0x31: {  	s20 =	rddreg [dreg:$0x4]  }
0x32: {  	[tilespmem:s9], [sflag:$0x5] =	stream.linear.gather [hbm4b:s20+s2], $0x640, $0x38;
	[tilespmem:$0x19C80] =	vst v63  }
0x33: {  	_ =	swait.ge [sflag:s8], $0x640  }
0x34: {  	[sflag:s8] =	ssyncset.done $0x0  }
0x35: {  	[sflag:s8] =	ssyncadd.s32 $0xFFFFF9C0  }
0x36: {  	[tilespmem:s10], [sflag:$0x2] =	stream.indirect.gather [hbm4b:s3+s9], $0x20, s9, s9, $0xb8;
	[tilespmem:$0x19C80] =	vst v63  }
0x37: {  	_ =	swait.ge [sflag:s11], $0xC800  }
0x38: {  	s18 =	simm.s32 $0x12C0;
	s19 =	simm.s32 $0xC80;
	[sflag:s11] =	ssyncset.done $0x0  }
0x39: {  	s17 =	simm.s32 $0xC8;
	s20 =	sadd.s32 $0x0, s21;
	[sflag:s11] =	ssyncadd.s32 $0xFFFF3800  }
.LBB2_2:
0x3a: {  	[hbm4b:s20+s2] =	stream.linear.scatter [tilespmem:s19], [sflag:$0x3], $0x640, $0x38;
	[tilespmem:$0x19C80] =	vst v63  }
0x3b: {  	s20 =	smov.u32 s17;
	s19 =	smov.u32 s18;
	p0 =	sne.s32 s17, $0x1838  }
.Ltmp0:
0x3c: {  	s17 =	sadd.s32 $0xC8, s17;
	(pc) =	sbr.rel @p0 .LBB2_2-.Ltmp0, $2  }
0x3d: {  	_ =	sdelay $0x2  }
0x3e: {  	s18 =	sadd.s32 $0x640, s18;
	s20 =	sadd.s32 s20, s21  }
0x3f: {  	[hbm4b:s20+s2] =	stream.linear.scatter [tilespmem:s19], [sflag:$0x3], $0x640, $0x38;
	[tilespmem:$0x19C80] =	vst v63  }
0x40: {  	s17 =	simm.s32 $0x0;
	s18 =	rddreg [dreg:$0x5]  }
0x41: {  	[tilespmem:s17], [sflag:$0x5] =	stream.linear.gather [hbm4b:s18+s17], $0x640, $0x38;
	[tilespmem:$0x19C80] =	vst v63  }
0x42: {  	_ =	swait.ge [sflag:s8], $0x640  }
0x43: {  	[sflag:s8] =	ssyncset.done $0x0  }
0x44: {  	[sflag:s8] =	ssyncadd.s32 $0xFFFFF9C0  }
0x45: {  	_ =	swait.ge [sflag:s12], $0xC800  }
0x46: {  	[sflag:s12] =	ssyncset.done $0x0  }
0x47: {  	[sflag:s12] =	ssyncadd.s32 $0xFFFF3800  }
0x48: {  	[tilespmem:s13], [sflag:$0x1] =	stream.indirect.gather [hbm4b:s3+s9], $0x20, s17, s9, $0xb8;
	[tilespmem:$0x19C80] =	vst v63  }
0x49: {  	_ =	swait.ge [sflag:s14], $0xC800  }
0x4a: {  	s20 =	sadd.s32 $0x0, s22;
	s19 =	simm.s32 $0xDAC0;
	[sflag:s14] =	ssyncset.done $0x0  }
0x4b: {  	s18 =	simm.s32 $0xC8;
	s17 =	simm.s32 $0xD480;
	[sflag:s14] =	ssyncadd.s32 $0xFFFF3800  }
.LBB2_4:
0x4c: {  	[hbm4b:s20+s2] =	stream.linear.scatter [tilespmem:s17], [sflag:$0x4], $0x640, $0x38;
	[tilespmem:$0x19C80] =	vst v63  }
0x4d: {  	s20 =	smov.u32 s18;
	s17 =	smov.u32 s19;
	p0 =	sne.s32 s18, $0x1838  }
.Ltmp1:
0x4e: {  	s18 =	sadd.s32 $0xC8, s18;
	(pc) =	sbr.rel @p0 .LBB2_4-.Ltmp1, $2  }
0x4f: {  	_ =	sdelay $0x2  }
0x50: {  	s19 =	sadd.s32 $0x640, s19;
	s20 =	sadd.s32 s20, s22  }
0x51: {  	[hbm4b:s20+s2] =	stream.linear.scatter [tilespmem:s17], [sflag:$0x4], $0x640, $0x38;
	[tilespmem:$0x19C80] =	vst v63  }
0x52: {  	s20 =	simm.s32 $0x0;
	s18 =	rddreg [dreg:$0x6]  }
0x53: {  	[tilespmem:s9], [sflag:$0x5] =	stream.linear.gather [hbm4b:s18+s20], $0x640, $0x38;
	[tilespmem:$0x19C80] =	vst v63  }
0x54: {  	_ =	swait.ge [sflag:s8], $0x640  }
0x55: {  	[sflag:s8] =	ssyncset.done $0x0  }
0x56: {  	[sflag:s8] =	ssyncadd.s32 $0xFFFFF9C0  }
0x57: {  	_ =	swait.ge [sflag:s15], $0xC800  }
0x58: {  	[sflag:s15] =	ssyncset.done $0x0  }
0x59: {  	[sflag:s15] =	ssyncadd.s32 $0xFFFF3800  }
0x5a: {  	[tilespmem:s10], [sflag:$0x2] =	stream.indirect.gather [hbm4b:s3+s9], $0x20, s9, s9, $0xb8;
	[tilespmem:$0x19C80] =	vst v63  }
0x5b: {  	_ =	swait.ge [sflag:s11], $0xC800  }
0x5c: {  	s17 =	simm.s32 $0xC80;
	s19 =	simm.s32 $0x12C0;
	[sflag:s11] =	ssyncset.done $0x0  }
0x5d: {  	s18 =	simm.s32 $0xC8;
	s20 =	sadd.s32 $0x0, s23;
	[sflag:s11] =	ssyncadd.s32 $0xFFFF3800  }
.LBB2_6:
0x5e: {  	[hbm4b:s20+s2] =	stream.linear.scatter [tilespmem:s17], [sflag:$0x3], $0x640, $0x38;
	[tilespmem:$0x19C80] =	vst v63  }
0x5f: {  	s20 =	smov.u32 s18;
	s17 =	smov.u32 s19;
	p0 =	sne.s32 s18, $0x1838  }
.Ltmp2:
0x60: {  	s18 =	sadd.s32 $0xC8, s18;
	(pc) =	sbr.rel @p0 .LBB2_6-.Ltmp2, $2  }
0x61: {  	_ =	sdelay $0x2  }
0x62: {  	s19 =	sadd.s32 $0x640, s19;
	s20 =	sadd.s32 s20, s23  }
0x63: {  	[hbm4b:s20+s2] =	stream.linear.scatter [tilespmem:s17], [sflag:$0x3], $0x640, $0x38;
	[tilespmem:$0x19C80] =	vst v63  }
0x64: {  	s20 =	simm.s32 $0x0;
	s18 =	rddreg [dreg:$0x7]  }
0x65: {  	[tilespmem:s20], [sflag:$0x5] =	stream.linear.gather [hbm4b:s18+s20], $0x640, $0x38;
	[tilespmem:$0x19C80] =	vst v63  }
0x66: {  	_ =	swait.ge [sflag:s8], $0x640  }
0x67: {  	[sflag:s8] =	ssyncset.done $0x0  }
0x68: {  	[sflag:s8] =	ssyncadd.s32 $0xFFFFF9C0  }
0x69: {  	_ =	swait.ge [sflag:s12], $0xC800  }
0x6a: {  	[sflag:s12] =	ssyncset.done $0x0  }
0x6b: {  	[sflag:s12] =	ssyncadd.s32 $0xFFFF3800  }
0x6c: {  	[tilespmem:s13], [sflag:$0x1] =	stream.indirect.gather [hbm4b:s3+s9], $0x20, s20, s9, $0xb8;
	[tilespmem:$0x19C80] =	vst v63  }
0x6d: {  	_ =	swait.ge [sflag:s14], $0xC800  }
0x6e: {  	s17 =	simm.s32 $0xD480;
	s19 =	simm.s32 $0xDAC0;
	[sflag:s14] =	ssyncset.done $0x0  }
0x6f: {  	s18 =	simm.s32 $0xC8;
	s20 =	sadd.s32 $0x0, s24;
	[sflag:s14] =	ssyncadd.s32 $0xFFFF3800  }
.LBB2_8:
0x70: {  	[hbm4b:s20+s2] =	stream.linear.scatter [tilespmem:s17], [sflag:$0x4], $0x640, $0x38;
	[tilespmem:$0x19C80] =	vst v63  }
0x71: {  	s20 =	smov.u32 s18;
	s17 =	smov.u32 s19;
	p0 =	sne.s32 s18, $0x1838  }
.Ltmp3:
0x72: {  	s18 =	sadd.s32 $0xC8, s18;
	(pc) =	sbr.rel @p0 .LBB2_8-.Ltmp3, $2  }
0x73: {  	_ =	sdelay $0x2  }
0x74: {  	s19 =	sadd.s32 $0x640, s19;
	s20 =	sadd.s32 s20, s24  }
0x75: {  	[hbm4b:s20+s2] =	stream.linear.scatter [tilespmem:s17], [sflag:$0x4], $0x640, $0x38;
	[tilespmem:$0x19C80] =	vst v63  }
0x76: {  	s20 =	simm.s32 $0x0;
	s18 =	rddreg [dreg:$0x8]  }
0x77: {  	[tilespmem:s9], [sflag:$0x5] =	stream.linear.gather [hbm4b:s18+s20], $0x640, $0x38;
	[tilespmem:$0x19C80] =	vst v63  }
0x78: {  	_ =	swait.ge [sflag:s8], $0x640  }
0x79: {  	[sflag:s8] =	ssyncset.done $0x0  }
0x7a: {  	[sflag:s8] =	ssyncadd.s32 $0xFFFFF9C0  }
0x7b: {  	_ =	swait.ge [sflag:s15], $0xC800  }
0x7c: {  	[sflag:s15] =	ssyncset.done $0x0  }
0x7d: {  	[sflag:s15] =	ssyncadd.s32 $0xFFFF3800  }
0x7e: {  	[tilespmem:s10], [sflag:$0x2] =	stream.indirect.gather [hbm4b:s3+s9], $0x20, s9, s9, $0xb8;
	[tilespmem:$0x19C80] =	vst v63  }
0x7f: {  	_ =	swait.ge [sflag:s11], $0xC800  }
0x80: {  	s17 =	simm.s32 $0xC80;
	s19 =	simm.s32 $0x12C0;
	[sflag:s11] =	ssyncset.done $0x0  }
0x81: {  	s18 =	simm.s32 $0xC8;
	s20 =	sadd.s32 $0x0, s25;
	[sflag:s11] =	ssyncadd.s32 $0xFFFF3800  }
.LBB2_10:
0x82: {  	[hbm4b:s20+s2] =	stream.linear.scatter [tilespmem:s17], [sflag:$0x3], $0x640, $0x38;
	[tilespmem:$0x19C80] =	vst v63  }
0x83: {  	s20 =	smov.u32 s18;
	s17 =	smov.u32 s19;
	p0 =	sne.s32 s18, $0x1838  }
.Ltmp4:
0x84: {  	s18 =	sadd.s32 $0xC8, s18;
	(pc) =	sbr.rel @p0 .LBB2_10-.Ltmp4, $2  }
0x85: {  	_ =	sdelay $0x2  }
0x86: {  	s19 =	sadd.s32 $0x640, s19;
	s20 =	sadd.s32 s20, s25  }
0x87: {  	[hbm4b:s20+s2] =	stream.linear.scatter [tilespmem:s17], [sflag:$0x3], $0x640, $0x38;
	[tilespmem:$0x19C80] =	vst v63  }
0x88: {  	s20 =	simm.s32 $0x0;
	s18 =	rddreg [dreg:$0x9]  }
0x89: {  	[tilespmem:s20], [sflag:$0x5] =	stream.linear.gather [hbm4b:s18+s20], $0x640, $0x38;
	[tilespmem:$0x19C80] =	vst v63  }
0x8a: {  	_ =	swait.ge [sflag:s8], $0x640  }
0x8b: {  	[sflag:s8] =	ssyncset.done $0x0  }
0x8c: {  	[sflag:s8] =	ssyncadd.s32 $0xFFFFF9C0  }
0x8d: {  	_ =	swait.ge [sflag:s12], $0xC800  }
0x8e: {  	[sflag:s12] =	ssyncset.done $0x0  }
0x8f: {  	[sflag:s12] =	ssyncadd.s32 $0xFFFF3800  }
0x90: {  	[tilespmem:s13], [sflag:$0x1] =	stream.indirect.gather [hbm4b:s3+s9], $0x20, s20, s9, $0xb8;
	[tilespmem:$0x19C80] =	vst v63  }
0x91: {  	_ =	swait.ge [sflag:s14], $0xC800  }
0x92: {  	s17 =	simm.s32 $0xD480;
	s19 =	simm.s32 $0xDAC0;
	[sflag:s14] =	ssyncset.done $0x0  }
0x93: {  	s18 =	simm.s32 $0xC8;
	s20 =	sadd.s32 $0x0, s26;
	[sflag:s14] =	ssyncadd.s32 $0xFFFF3800  }
.LBB2_12:
0x94: {  	[hbm4b:s20+s2] =	stream.linear.scatter [tilespmem:s17], [sflag:$0x4], $0x640, $0x38;
	[tilespmem:$0x19C80] =	vst v63  }
0x95: {  	s20 =	smov.u32 s18;
	s17 =	smov.u32 s19;
	p0 =	sne.s32 s18, $0x1838  }
.Ltmp5:
0x96: {  	s18 =	sadd.s32 $0xC8, s18;
	(pc) =	sbr.rel @p0 .LBB2_12-.Ltmp5, $2  }
0x97: {  	_ =	sdelay $0x2  }
0x98: {  	s19 =	sadd.s32 $0x640, s19;
	s20 =	sadd.s32 s20, s26  }
0x99: {  	[hbm4b:s20+s2] =	stream.linear.scatter [tilespmem:s17], [sflag:$0x4], $0x640, $0x38;
	[tilespmem:$0x19C80] =	vst v63  }
0x9a: {  	s20 =	simm.s32 $0x0;
	s18 =	rddreg [dreg:$0xa]  }
0x9b: {  	[tilespmem:s9], [sflag:$0x5] =	stream.linear.gather [hbm4b:s18+s20], $0x640, $0x38;
	[tilespmem:$0x19C80] =	vst v63  }
0x9c: {  	_ =	swait.ge [sflag:s8], $0x640  }
0x9d: {  	[sflag:s8] =	ssyncset.done $0x0  }
0x9e: {  	[sflag:s8] =	ssyncadd.s32 $0xFFFFF9C0  }
0x9f: {  	_ =	swait.ge [sflag:s15], $0xC800  }
0xa0: {  	[sflag:s15] =	ssyncset.done $0x0  }
0xa1: {  	[sflag:s15] =	ssyncadd.s32 $0xFFFF3800  }
0xa2: {  	[tilespmem:s10], [sflag:$0x2] =	stream.indirect.gather [hbm4b:s3+s9], $0x20, s9, s9, $0xb8;
	[tilespmem:$0x19C80] =	vst v63  }
0xa3: {  	_ =	swait.ge [sflag:s11], $0xC800  }
0xa4: {  	s17 =	simm.s32 $0xC80;
	s19 =	simm.s32 $0x12C0;
	[sflag:s11] =	ssyncset.done $0x0  }
0xa5: {  	s18 =	simm.s32 $0xC8;
	s20 =	sadd.s32 $0x0, s28;
	[sflag:s11] =	ssyncadd.s32 $0xFFFF3800  }
.LBB2_14:
0xa6: {  	[hbm4b:s20+s2] =	stream.linear.scatter [tilespmem:s17], [sflag:$0x3], $0x640, $0x38;
	[tilespmem:$0x19C80] =	vst v63  }
0xa7: {  	s20 =	smov.u32 s18;
	s17 =	smov.u32 s19;
	p0 =	sne.s32 s18, $0x1838  }
.Ltmp6:
0xa8: {  	s18 =	sadd.s32 $0xC8, s18;
	(pc) =	sbr.rel @p0 .LBB2_14-.Ltmp6, $2  }
0xa9: {  	_ =	sdelay $0x2  }
0xaa: {  	s19 =	sadd.s32 $0x640, s19;
	s20 =	sadd.s32 s20, s28  }
0xab: {  	[hbm4b:s20+s2] =	stream.linear.scatter [tilespmem:s17], [sflag:$0x3], $0x640, $0x38;
	[tilespmem:$0x19C80] =	vst v63  }
0xac: {  	s20 =	simm.s32 $0x0;
	s18 =	rddreg [dreg:$0xb]  }
0xad: {  	[tilespmem:s20], [sflag:$0x5] =	stream.linear.gather [hbm4b:s18+s20], $0x640, $0x38;
	[tilespmem:$0x19C80] =	vst v63  }
0xae: {  	_ =	swait.ge [sflag:s8], $0x640  }
0xaf: {  	[sflag:s8] =	ssyncset.done $0x0  }
0xb0: {  	[sflag:s8] =	ssyncadd.s32 $0xFFFFF9C0  }
0xb1: {  	_ =	swait.ge [sflag:s12], $0xC800  }
0xb2: {  	[sflag:s12] =	ssyncset.done $0x0  }
0xb3: {  	[sflag:s12] =	ssyncadd.s32 $0xFFFF3800  }
0xb4: {  	[tilespmem:s13], [sflag:$0x1] =	stream.indirect.gather [hbm4b:s3+s9], $0x20, s20, s9, $0xb8;
	[tilespmem:$0x19C80] =	vst v63  }
0xb5: {  	_ =	swait.ge [sflag:s14], $0xC800  }
0xb6: {  	s17 =	simm.s32 $0xD480;
	s19 =	simm.s32 $0xDAC0;
	[sflag:s14] =	ssyncset.done $0x0  }
0xb7: {  	s18 =	simm.s32 $0xC8;
	s20 =	sadd.s32 $0x0, s29;
	[sflag:s14] =	ssyncadd.s32 $0xFFFF3800  }
.LBB2_16:
0xb8: {  	[hbm4b:s20+s2] =	stream.linear.scatter [tilespmem:s17], [sflag:$0x4], $0x640, $0x38;
	[tilespmem:$0x19C80] =	vst v63  }
0xb9: {  	s20 =	smov.u32 s18;
	s17 =	smov.u32 s19;
	p0 =	sne.s32 s18, $0x1838  }
.Ltmp7:
0xba: {  	s18 =	sadd.s32 $0xC8, s18;
	(pc) =	sbr.rel @p0 .LBB2_16-.Ltmp7, $2  }
0xbb: {  	_ =	sdelay $0x2  }
0xbc: {  	s19 =	sadd.s32 $0x640, s19;
	s20 =	sadd.s32 s20, s29  }
0xbd: {  	[hbm4b:s20+s2] =	stream.linear.scatter [tilespmem:s17], [sflag:$0x4], $0x640, $0x38;
	[tilespmem:$0x19C80] =	vst v63  }
0xbe: {  	s20 =	simm.s32 $0x0;
	s18 =	rddreg [dreg:$0xc]  }
0xbf: {  	[tilespmem:s9], [sflag:$0x5] =	stream.linear.gather [hbm4b:s18+s20], $0x640, $0x38;
	[tilespmem:$0x19C80] =	vst v63  }
0xc0: {  	_ =	swait.ge [sflag:s8], $0x640  }
0xc1: {  	[sflag:s8] =	ssyncset.done $0x0  }
0xc2: {  	[sflag:s8] =	ssyncadd.s32 $0xFFFFF9C0  }
0xc3: {  	_ =	swait.ge [sflag:s15], $0xC800  }
0xc4: {  	[sflag:s15] =	ssyncset.done $0x0  }
0xc5: {  	[sflag:s15] =	ssyncadd.s32 $0xFFFF3800  }
0xc6: {  	[tilespmem:s10], [sflag:$0x2] =	stream.indirect.gather [hbm4b:s3+s9], $0x20, s9, s9, $0xb8;
	[tilespmem:$0x19C80] =	vst v63  }
0xc7: {  	_ =	swait.ge [sflag:s11], $0xC800  }
0xc8: {  	s17 =	simm.s32 $0xC80;
	s19 =	simm.s32 $0x12C0;
	[sflag:s11] =	ssyncset.done $0x0  }
0xc9: {  	s18 =	simm.s32 $0xC8;
	s20 =	sadd.s32 $0x0, s30;
	[sflag:s11] =	ssyncadd.s32 $0xFFFF3800  }
.LBB2_18:
0xca: {  	[hbm4b:s20+s2] =	stream.linear.scatter [tilespmem:s17], [sflag:$0x3], $0x640, $0x38;
	[tilespmem:$0x19C80] =	vst v63  }
0xcb: {  	s20 =	smov.u32 s18;
	s17 =	smov.u32 s19;
	p0 =	sne.s32 s18, $0x1838  }
.Ltmp8:
0xcc: {  	s18 =	sadd.s32 $0xC8, s18;
	(pc) =	sbr.rel @p0 .LBB2_18-.Ltmp8, $2  }
0xcd: {  	_ =	sdelay $0x2  }
0xce: {  	s19 =	sadd.s32 $0x640, s19;
	s20 =	sadd.s32 s20, s30  }
0xcf: {  	[hbm4b:s20+s2] =	stream.linear.scatter [tilespmem:s17], [sflag:$0x3], $0x640, $0x38;
	[tilespmem:$0x19C80] =	vst v63  }
0xd0: {  	s20 =	simm.s32 $0x0;
	s18 =	rddreg [dreg:$0xd]  }
0xd1: {  	[tilespmem:s20], [sflag:$0x5] =	stream.linear.gather [hbm4b:s18+s20], $0x640, $0x38;
	[tilespmem:$0x19C80] =	vst v63  }
0xd2: {  	_ =	swait.ge [sflag:s8], $0x640  }
0xd3: {  	[sflag:s8] =	ssyncset.done $0x0  }
0xd4: {  	[sflag:s8] =	ssyncadd.s32 $0xFFFFF9C0  }
0xd5: {  	_ =	swait.ge [sflag:s12], $0xC800  }
0xd6: {  	[sflag:s12] =	ssyncset.done $0x0  }
0xd7: {  	[sflag:s12] =	ssyncadd.s32 $0xFFFF3800  }
0xd8: {  	[tilespmem:s13], [sflag:$0x1] =	stream.indirect.gather [hbm4b:s3+s9], $0x20, s20, s9, $0xb8;
	[tilespmem:$0x19C80] =	vst v63  }
0xd9: {  	_ =	swait.ge [sflag:s14], $0xC800  }
0xda: {  	s17 =	simm.s32 $0xD480;
	s19 =	simm.s32 $0xDAC0;
	[sflag:s14] =	ssyncset.done $0x0  }
0xdb: {  	s18 =	simm.s32 $0xC8;
	s20 =	sadd.s32 $0x0, s31;
	[sflag:s14] =	ssyncadd.s32 $0xFFFF3800  }
.LBB2_20:
0xdc: {  	[hbm4b:s20+s2] =	stream.linear.scatter [tilespmem:s17], [sflag:$0x4], $0x640, $0x38;
	[tilespmem:$0x19C80] =	vst v63  }
0xdd: {  	s20 =	smov.u32 s18;
	s17 =	smov.u32 s19;
	p0 =	sne.s32 s18, $0x1838  }
.Ltmp9:
0xde: {  	s18 =	sadd.s32 $0xC8, s18;
	(pc) =	sbr.rel @p0 .LBB2_20-.Ltmp9, $2  }
0xdf: {  	_ =	sdelay $0x2  }
0xe0: {  	s19 =	sadd.s32 $0x640, s19;
	s20 =	sadd.s32 s20, s31  }
0xe1: {  	[hbm4b:s20+s2] =	stream.linear.scatter [tilespmem:s17], [sflag:$0x4], $0x640, $0x38;
	[tilespmem:$0x19C80] =	vst v63  }
0xe2: {  	s20 =	simm.s32 $0x0;
	s18 =	rddreg [dreg:$0xe]  }
0xe3: {  	[tilespmem:s9], [sflag:$0x5] =	stream.linear.gather [hbm4b:s18+s20], $0x640, $0x38;
	[tilespmem:$0x19C80] =	vst v63  }
0xe4: {  	_ =	swait.ge [sflag:s8], $0x640  }
0xe5: {  	[sflag:s8] =	ssyncset.done $0x0  }
0xe6: {  	[sflag:s8] =	ssyncadd.s32 $0xFFFFF9C0  }
0xe7: {  	_ =	swait.ge [sflag:s15], $0xC800  }
0xe8: {  	[sflag:s15] =	ssyncset.done $0x0  }
0xe9: {  	[sflag:s15] =	ssyncadd.s32 $0xFFFF3800  }
0xea: {  	[tilespmem:s10], [sflag:$0x2] =	stream.indirect.gather [hbm4b:s3+s9], $0x20, s9, s9, $0xb8;
	[tilespmem:$0x19C80] =	vst v63  }
0xeb: {  	_ =	swait.ge [sflag:s11], $0xC800  }
0xec: {  	s17 =	simm.s32 $0xC80;
	s19 =	simm.s32 $0x12C0;
	[sflag:s11] =	ssyncset.done $0x0  }
0xed: {  	s18 =	simm.s32 $0xC8;
	s20 =	sadd.s32 $0x0, s0;
	[sflag:s11] =	ssyncadd.s32 $0xFFFF3800  }
.LBB2_22:
0xee: {  	[hbm4b:s20+s2] =	stream.linear.scatter [tilespmem:s17], [sflag:$0x3], $0x640, $0x38;
	[tilespmem:$0x19C80] =	vst v63  }
0xef: {  	s20 =	smov.u32 s18;
	s17 =	smov.u32 s19;
	p0 =	sne.s32 s18, $0x1838  }
.Ltmp10:
0xf0: {  	s18 =	sadd.s32 $0xC8, s18;
	(pc) =	sbr.rel @p0 .LBB2_22-.Ltmp10, $2  }
0xf1: {  	_ =	sdelay $0x2  }
0xf2: {  	s19 =	sadd.s32 $0x640, s19;
	s20 =	sadd.s32 s20, s0  }
0xf3: {  	[hbm4b:s20+s2] =	stream.linear.scatter [tilespmem:s17], [sflag:$0x3], $0x640, $0x38;
	[tilespmem:$0x19C80] =	vst v63  }
0xf4: {  	s20 =	simm.s32 $0x0;
	s18 =	rddreg [dreg:$0xf]  }
0xf5: {  	[tilespmem:s20], [sflag:$0x5] =	stream.linear.gather [hbm4b:s18+s20], $0x640, $0x38;
	[tilespmem:$0x19C80] =	vst v63  }
0xf6: {  	_ =	swait.ge [sflag:s8], $0x640  }
0xf7: {  	[sflag:s8] =	ssyncset.done $0x0  }
0xf8: {  	[sflag:s8] =	ssyncadd.s32 $0xFFFFF9C0  }
0xf9: {  	_ =	swait.ge [sflag:s12], $0xC800  }
0xfa: {  	[sflag:s12] =	ssyncset.done $0x0  }
0xfb: {  	[sflag:s12] =	ssyncadd.s32 $0xFFFF3800  }
0xfc: {  	[tilespmem:s13], [sflag:$0x1] =	stream.indirect.gather [hbm4b:s3+s9], $0x20, s20, s9, $0xb8;
	[tilespmem:$0x19C80] =	vst v63  }
0xfd: {  	_ =	swait.ge [sflag:s14], $0xC800  }
0xfe: {  	s17 =	simm.s32 $0xD480;
	s19 =	simm.s32 $0xDAC0;
	[sflag:s14] =	ssyncset.done $0x0  }
0xff: {  	s18 =	simm.s32 $0xC8;
	s20 =	sadd.s32 $0x0, s1;
	[sflag:s14] =	ssyncadd.s32 $0xFFFF3800  }
.LBB2_24:
0x100: {  	[hbm4b:s20+s2] =	stream.linear.scatter [tilespmem:s17], [sflag:$0x4], $0x640, $0x38;
	[tilespmem:$0x19C80] =	vst v63  }
0x101: {  	s20 =	smov.u32 s18;
	s17 =	smov.u32 s19;
	p0 =	sne.s32 s18, $0x1838  }
.Ltmp11:
0x102: {  	s18 =	sadd.s32 $0xC8, s18;
	(pc) =	sbr.rel @p0 .LBB2_24-.Ltmp11, $2  }
0x103: {  	_ =	sdelay $0x2  }
0x104: {  	s19 =	sadd.s32 $0x640, s19;
	s20 =	sadd.s32 s20, s1  }
0x105: {  	[hbm4b:s20+s2] =	stream.linear.scatter [tilespmem:s17], [sflag:$0x4], $0x640, $0x38;
	[tilespmem:$0x19C80] =	vst v63  }
0x106: {  	s20 =	simm.s32 $0x0;
	s18 =	rddreg [dreg:$0x10]  }
0x107: {  	[tilespmem:s9], [sflag:$0x5] =	stream.linear.gather [hbm4b:s18+s20], $0x640, $0x38;
	[tilespmem:$0x19C80] =	vst v63  }
0x108: {  	_ =	swait.ge [sflag:s8], $0x640  }
0x109: {  	[sflag:s8] =	ssyncset.done $0x0  }
0x10a: {  	[sflag:s8] =	ssyncadd.s32 $0xFFFFF9C0  }
0x10b: {  	_ =	swait.ge [sflag:s15], $0xC800  }
0x10c: {  	[sflag:s15] =	ssyncset.done $0x0  }
0x10d: {  	[sflag:s15] =	ssyncadd.s32 $0xFFFF3800  }
0x10e: {  	[tilespmem:s10], [sflag:$0x2] =	stream.indirect.gather [hbm4b:s3+s9], $0x20, s9, s9, $0xb8;
	[tilespmem:$0x19C80] =	vst v63  }
0x10f: {  	_ =	swait.ge [sflag:s11], $0xC800  }
0x110: {  	s17 =	simm.s32 $0xC80;
	s19 =	simm.s32 $0x12C0;
	[sflag:s11] =	ssyncset.done $0x0  }
0x111: {  	s18 =	simm.s32 $0xC8;
	s20 =	sadd.s32 $0x0, s4;
	[sflag:s11] =	ssyncadd.s32 $0xFFFF3800  }
.LBB2_26:
0x112: {  	[hbm4b:s20+s2] =	stream.linear.scatter [tilespmem:s17], [sflag:$0x3], $0x640, $0x38;
	[tilespmem:$0x19C80] =	vst v63  }
0x113: {  	s20 =	smov.u32 s18;
	s17 =	smov.u32 s19;
	p0 =	sne.s32 s18, $0x1838  }
.Ltmp12:
0x114: {  	s18 =	sadd.s32 $0xC8, s18;
	(pc) =	sbr.rel @p0 .LBB2_26-.Ltmp12, $2  }
0x115: {  	_ =	sdelay $0x2  }
0x116: {  	s19 =	sadd.s32 $0x640, s19;
	s20 =	sadd.s32 s20, s4  }
0x117: {  	[hbm4b:s20+s2] =	stream.linear.scatter [tilespmem:s17], [sflag:$0x3], $0x640, $0x38;
	[tilespmem:$0x19C80] =	vst v63  }
0x118: {  	s20 =	simm.s32 $0x0;
	s18 =	rddreg [dreg:$0x11]  }
0x119: {  	[tilespmem:s20], [sflag:$0x5] =	stream.linear.gather [hbm4b:s18+s20], $0x640, $0x38;
	[tilespmem:$0x19C80] =	vst v63  }
0x11a: {  	_ =	swait.ge [sflag:s8], $0x640  }
0x11b: {  	[sflag:s8] =	ssyncset.done $0x0  }
0x11c: {  	[sflag:s8] =	ssyncadd.s32 $0xFFFFF9C0  }
0x11d: {  	_ =	swait.ge [sflag:s12], $0xC800  }
0x11e: {  	[sflag:s12] =	ssyncset.done $0x0  }
0x11f: {  	[sflag:s12] =	ssyncadd.s32 $0xFFFF3800  }
0x120: {  	[tilespmem:s13], [sflag:$0x1] =	stream.indirect.gather [hbm4b:s3+s9], $0x20, s20, s9, $0xb8;
	[tilespmem:$0x19C80] =	vst v63  }
0x121: {  	_ =	swait.ge [sflag:s14], $0xC800  }
0x122: {  	s17 =	simm.s32 $0xD480;
	s19 =	simm.s32 $0xDAC0;
	[sflag:s14] =	ssyncset.done $0x0  }
0x123: {  	s18 =	simm.s32 $0xC8;
	s20 =	sadd.s32 $0x0, s5;
	[sflag:s14] =	ssyncadd.s32 $0xFFFF3800  }
.LBB2_28:
0x124: {  	[hbm4b:s20+s2] =	stream.linear.scatter [tilespmem:s17], [sflag:$0x4], $0x640, $0x38;
	[tilespmem:$0x19C80] =	vst v63  }
0x125: {  	s20 =	smov.u32 s18;
	s17 =	smov.u32 s19;
	p0 =	sne.s32 s18, $0x1838  }
.Ltmp13:
0x126: {  	s18 =	sadd.s32 $0xC8, s18;
	(pc) =	sbr.rel @p0 .LBB2_28-.Ltmp13, $2  }
0x127: {  	_ =	sdelay $0x2  }
0x128: {  	s19 =	sadd.s32 $0x640, s19;
	s20 =	sadd.s32 s20, s5  }
0x129: {  	[hbm4b:s20+s2] =	stream.linear.scatter [tilespmem:s17], [sflag:$0x4], $0x640, $0x38;
	[tilespmem:$0x19C80] =	vst v63  }
0x12a: {  	s20 =	simm.s32 $0x0;
	s18 =	rddreg [dreg:$0x12]  }
0x12b: {  	[tilespmem:s9], [sflag:$0x5] =	stream.linear.gather [hbm4b:s18+s20], $0x640, $0x38;
	[tilespmem:$0x19C80] =	vst v63  }
0x12c: {  	_ =	swait.ge [sflag:s8], $0x640  }
0x12d: {  	[sflag:s8] =	ssyncset.done $0x0  }
0x12e: {  	[sflag:s8] =	ssyncadd.s32 $0xFFFFF9C0  }
0x12f: {  	_ =	swait.ge [sflag:s15], $0xC800  }
0x130: {  	[sflag:s15] =	ssyncset.done $0x0  }
0x131: {  	[sflag:s15] =	ssyncadd.s32 $0xFFFF3800  }
0x132: {  	[tilespmem:s10], [sflag:$0x2] =	stream.indirect.gather [hbm4b:s3+s9], $0x20, s9, s9, $0xb8;
	[tilespmem:$0x19C80] =	vst v63  }
0x133: {  	_ =	swait.ge [sflag:s11], $0xC800  }
0x134: {  	s17 =	simm.s32 $0xC80;
	s19 =	simm.s32 $0x12C0;
	[sflag:s11] =	ssyncset.done $0x0  }
0x135: {  	s18 =	simm.s32 $0xC8;
	s20 =	sadd.s32 $0x0, s6;
	[sflag:s11] =	ssyncadd.s32 $0xFFFF3800  }
.LBB2_30:
0x136: {  	[hbm4b:s20+s2] =	stream.linear.scatter [tilespmem:s17], [sflag:$0x3], $0x640, $0x38;
	[tilespmem:$0x19C80] =	vst v63  }
0x137: {  	s20 =	smov.u32 s18;
	s17 =	smov.u32 s19;
	p0 =	sne.s32 s18, $0x1838  }
.Ltmp14:
0x138: {  	s18 =	sadd.s32 $0xC8, s18;
	(pc) =	sbr.rel @p0 .LBB2_30-.Ltmp14, $2  }
0x139: {  	_ =	sdelay $0x2  }
0x13a: {  	s19 =	sadd.s32 $0x640, s19;
	s20 =	sadd.s32 s20, s6  }
0x13b: {  	[hbm4b:s20+s2] =	stream.linear.scatter [tilespmem:s17], [sflag:$0x3], $0x640, $0x38;
	[tilespmem:$0x19C80] =	vst v63  }
0x13c: {  	_ =	swait.ge [sflag:s14], $0xC800  }
0x13d: {  	s17 =	simm.s32 $0xD480;
	s18 =	simm.s32 $0xC8;
	[sflag:s14] =	ssyncset.done $0x0  }
0x13e: {  	s20 =	sadd.s32 $0x0, s7;
	s19 =	simm.s32 $0xDAC0;
	[sflag:s14] =	ssyncadd.s32 $0xFFFF3800  }
.LBB2_32:
0x13f: {  	[hbm4b:s20+s2] =	stream.linear.scatter [tilespmem:s17], [sflag:$0x4], $0x640, $0x38;
	[tilespmem:$0x19C80] =	vst v63  }
0x140: {  	s20 =	smov.u32 s18;
	s17 =	smov.u32 s19;
	p0 =	sne.s32 s18, $0x1838  }
.Ltmp15:
0x141: {  	s18 =	sadd.s32 $0xC8, s18;
	(pc) =	sbr.rel @p0 .LBB2_32-.Ltmp15, $2  }
0x142: {  	_ =	sdelay $0x2  }
0x143: {  	s19 =	sadd.s32 $0x640, s19;
	s20 =	sadd.s32 s20, s7  }
0x144: {  	[hbm4b:s20+s2] =	stream.linear.scatter [tilespmem:s17], [sflag:$0x4], $0x640, $0x38;
	[tilespmem:$0x19C80] =	vst v63  }
0x145: {  	_ =	swait.ge [sflag:s12], $0xC800  }
0x146: {  	[sflag:s12] =	ssyncset.done $0x0  }
0x147: {  	[sflag:s12] =	ssyncadd.s32 $0xFFFF3800  }
0x148: {  	_ =	swait.ge [sflag:s15], $0xC800  }
0x149: {  	s16 =	sadd.s32 $0x1, s16;
	s20 =	rddreg [dreg:$0x13]  }
0x14a: {  	p0 =	sne.s32 s16, s20  }
.Ltmp16:
0x14b: {  	_ = 	snop;
	(pc) =	sbr.rel @p0 .LBB2_1-.Ltmp16, $3  }
0x14c: {  	_ =	sdelay $0x1  }
0x14d: {  	[sflag:s15] =	ssyncset.done $0x0  }
0x14e: {  	[sflag:s15] =	ssyncadd.s32 $0xFFFF3800  }
0x14f: {  	_ =	sfence.sel $0x180000  }
0x150: {  	[bflag:$0x0] =	sbarrier.arrive $0xFFFF  }
0x151: {  	_ =	strace $0x90000047  }
0x152: {  	s0 =	stileid.u32;
	[bflag:$0x2] =	sbarrier.arrive $0xFFFF  }
0x153: {  	p0 =	sne.s32 s0, $0x0;
	s0 =	rddreg [dreg:$0x2]  }
0x154: {  	s0 =	sadd.s32 @!p0 $0x100000, s0  }
0x155: {  	[sflag:s0] =	ssyncadd.tile.s32 @!p0 $0x1;
	_ =	shalt  }
.Lfunc_end2:
_tile_overlayer_lowered:
.L_overlay_start_2:
0x156: {  	(tag) =	ssettag $0x2  }
0x157: {  	s0 =	rddreg [dreg:$0x0];
	s2 =	stileid.u32  }
0x158: {  	s1 =	rddreg [dreg:$0x1];
	p0 =	sne.s32 s2, $0x0  }
0x159: {  	s3 =	rddreg [dreg:$0x2];
	[bflag:$0x3] =	sbarrier.arrive $0xFFFF;
	s2 =	simm.s32 @!p0 $0x1C05  }
0x15a: {  	[timem:s3], [sflag:s2] =	dma.local @!p0 [hbm:s0], s1  }
0x15b: {  	s0 =	simm.s32 @!p0 $0x5  }
0x15c: {  	_ =	swait.ge @!p0 [sflag:s0], s1  }
0x15d: {  	s1 =	ssub.s32 @!p0 $0x0, s1;
	[sflag:s0] =	ssyncset.done @!p0 $0x0  }
0x15e: {  	[sflag:s0] =	ssyncadd.s32 @!p0 s1  }
0x15f: {  	[bflag:$0x3] =	sbarrier.arrive $0xFFFF  }
0x160: {  	_ =	shalt  }

// kernel: sparse-core-data-format-call.cloned.1.call-start
scs
called_computation_lowered:
.L_overlay_start_0:
0x0: {  	s2 =	sld [smem:$0x3FD9]  }
0x1: {  	s3 =	sld [smem:$0x3FFE];
	_ =	sdelay $0x1  }
0x2: {  	s1 =	srdreg.scid  }
0x3: {  	s0 =	sand.u32 $0x1, s1  }
0x4: {  	s18 =	sshll.u32 s0, $0xA;
	s2 =	sadd.s32 s3, s2  }
0x5: {  	s2 =	sadd.s32 s2, s18  }
0x6: {  	[smem:$0x3FC6] =	sst s2  }
0x7: {  	_ = 	snop  }
0x8: {  	s2 =	sld [smem:$0x3FD0];
	(tm) =	ssettm $0x1  }
0x9: {  	s19 =	sld [smem:$0x3FFB];
	_ =	sdelay $0x3  }
0xa: {  	_ =	strace s19  }
0xb: {  	s3 =	sld [smem:$0x3FFC];
	_ =	sdelay $0x3  }
0xc: {  	_ =	strace s3  }
0xd: {  	s3 =	sld [smem:$0x3FFD];
	_ =	sdelay $0x3  }
0xe: {  	_ =	strace s3  }
0xf: {  	_ =	strace $0x8FFFFFFF  }
0x10: {  	s20 =	sld [smem:$0x3FDB];
	_ =	sdelay $0x1  }
0x11: {  	s4 =	simm.s32 $_scs_section_size  }
0x12: {  	s5 =	simm.s32 $_size__tile_overlayer_lowered;
	s6 =	simm.s32 $_tile_overlayer_lowered  }
0x13: {  	s23 =	simm.s32 $0x1BFF;
	s22 =	sshll.u32 s6, $0x1;
	s3 =	sadd.s32 s4, s20  }
0x14: {  	s7 =	simm.s32 $0x0;
	s21 =	sshll.u32 s5, $0x1;
	s5 =	sadd.s32 s22, s3  }
0x15: {  	[timem:s7], [sflag:s23] =	dma.local [hbm:s5], s21  }
0x16: {  	_ =	swait.ge [sflag:s23], s21  }
0x17: {  	s4 =	ssub.s32 $0x0, s21;
	[sflag:s23] =	ssyncset.done $0x0  }
0x18: {  	[sflag:s23] =	ssyncadd.s32 s4;
	_ =	sdelay $0x1  }
0x19: {  	s24 =	simm.s32 $0x1B8B  }
0x1a: {  	_ =	swait.ge [sflag:s24], $0x1  }
0x1b: {  	[sflag:s24] =	ssyncset.done $0x0  }
0x1c: {  	s26 =	simm.s32 $0x1B8E;
	s25 =	sld [smem:$0x3FFE];
	[sflag:s24] =	ssyncadd.s32 $0xFFFFFFFF  }
0x1d: {  	s27 =	simm.s32 $execute0_lowered;
	[smem:$0x3FD2] =	sst s26  }
0x1e: {  	s5 =	sshll.u32 s27, $0x1;
	_ =	strace $0x80000049;
	[dreg:$0x1] =	wrdreg $0xFFFFFFFF  }
0x1f: {  	s28 =	simm.s32 $_size_execute0_lowered;
	s3 =	sadd.s32 s3, s5;
	[dreg:$0x0] =	wrdreg $0x0  }
0x20: {  	s5 =	sshll.u32 s28, $0x1;
	[dreg:$0x2] =	wrdreg s3  }
0x21: {  	[dreg:$0x3] =	wrdreg s5  }
0x22: {  	[dreg:$0x4] =	wrdreg $0xC0  }
0x23: {  	_ =	task [dreg:s7], $0x5FFFF  }
0x24: {  	[dreg:$0x1] =	wrdreg $0xFFFFFFFF  }
0x25: {  	[dreg:$0x0] =	wrdreg $0x60  }
0x26: {  	[dreg:$0x2] =	wrdreg s25  }
0x27: {  	[dreg:$0x3] =	wrdreg s2  }
0x28: {  	[dreg:$0x4] =	wrdreg $0x9  }
0x29: {  	_ =	task.clear_ibuf [dreg:s7], $0x5FFFF;
	_ =	strace $0x90000049  }
0x2a: {  	s29 =	simm.s32 $0x9;
	_ =	strace $0x8000004B  }
0x2b: {  	_ =	swait.ge [sflag:s29], $0x1  }
0x2c: {  	[sflag:s29] =	ssyncadd.s32 $0xFFFFFFFF  }
0x2d: {  	_ =	strace $0x9000004B  }
0x2e: {  	_ =	sfence  }
0x2f: {  	s30 =	sld [smem:$0x0];
	_ =	sdelay $0x2  }
0x30: {  	s31 =	sshll.u32 s1, $0xD;
	s1 =	sshrl.u32 s1, $0x2  }
0x31: {  	s3 =	sand.u32 $0x4000, s31;
	s1 =	sadd.s32 s1, s30  }
0x32: {  	s0 =	sor.u32 s3, s0;
	s1 =	sshll.u32 s1, $0x11  }
0x33: {  	s0 =	sor.u32 s1, s0  }
0x34: {  	s0 =	sadd.s32 $0x8F2B, s0  }
0x35: {  	[sflag:s0] =	ssyncadd.remote.s32 $0x1  }
0x36: {  	_ =	sfence.sel $0xFFFF  }
0x37: {  	[dreg:$0x0] =	wrdreg $0xFFFFFFFF;
	(pc) =	sbr.abs _section_cstart, $3  }
0x38: {  	[dreg:$0x1] =	wrdreg $0xFFFFFFFF  }
0x39: {  	_ =	task.clear_ibuf [dreg:s7], $0x2FFFF;
	_ =	strace $0x9FFFFFFF  }
0x3a: {  	(tm) =	ssettm $0x7FFFFFFF  }
0x3b: {  	_ =	shalt  }
tec
execute0_lowered:
.L_overlay_start_1:
0x0: {  	(tag) =	ssettag $0x1  }
0x1: {  	s0 =	srdreg.scid  }
0x2: {  	s1 =	sshll.u32 s0, $0x4  }
0x3: {  	s0 =	stileid.u32;
	s1 =	sand.u32 $0x10, s1  }
0x4: {  	s1 =	sor.u32 s0, s1  }
0x5: {  	s6 =	rddreg [dreg:$0x0];
	s4 =	simm.s32 $0x1;
	s2 =	sshll.u32 s1, $0x7  }
0x6: {  	s7 =	simm.s32 $0x2;
	s12 =	simm.s32 $0x0;
	s1 =	ssub.s32 $0x4000, s2  }
0x7: {  	s8 =	simm.s32 $0x20000;
	s13 =	simm.s32 $0x0;
	s3 =	sand.u32 $0xF80, s1  }
0x8: {  	s9 =	simm.s32 $0x0;
	s5 =	sshrl.u32 s1, $0xC;
	p0 =	sne.s32 s3, $0x0  }
.Ltmp0:
0x9: {  	s1 =	rddreg [dreg:$0x2];
	s4 =	simm.s32 @!p0 $0x0;
	(pc) =	sbr.rel .LBB1_1-.Ltmp0, $4  }
0xa: {  	s11 =	simm.s32 $0x0;
	s3 =	rddreg [dreg:$0x1];
	s5 =	sadd.s32 s4, s5  }
0xb: {  	_ =	strace $0x8000004A;
	s4 =	simm.s32 $0x1;
	s5 =	smul.u32 $0x32, s5  }
0xc: {  	s6 =	sadd.s32 $0xA00, s6;
	s10 =	smov.u32 s2;
	[sflag:s4] =	ssyncpa.u1 $0x0  }
0xd: {  	p0 =	por $0x0, $0x0;
	[sflag:s7] =	ssyncpa.u1 $0x0;
	s7 =	sor.u32 $0x1, s5  }
.LBB1_4:
0xe: {  	s16 =	sshll.u32 s13, $0x3;
	s17 =	sand.u32 $0x78, s13  }
0xf: {  	s30 =	sand.u32 $0xF800, s13;
	s12 =	sshll.u32 s12, $0x10;
	s16 =	sand.u32 $0x3C00, s16  }
0x10: {  	s31 =	sand.u32 $0x7, s13;
	s16 =	sor.u32 s17, s16;
	s17 =	sadd.s32 s3, s30  }
0x11: {  	s13 =	sshll.u32 s31, $0x12;
	s16 =	sshrl.u32 s16, $0x3;
	s12 =	sadd.s32 s12, s17  }
0x12: {  	[tilespmem:s15+$0x0 ss:$0x81] =	vst.msk $0xffff, v0;
	s13 =	sor.u32 $0x400, s13;
	s12 =	sadd.s32 s16, s12  }
0x13: {  	[hbm4b:s12+s13] =	stream.strided.scatter [tilespmem:s14], [sflag:$0x2], $0x1000, s8, s13, $0x20;
	[tilespmem:$0x4040] =	vst v63  }
.LBB1_5:
0x14: {  	s14 =	sadd.s32 $0x1, s9  }
0x15: {  	s12 =	sadd.s32 $0x1000, s10;
	s16 =	smov.u32 s10;
	p2 =	sgt.s32 s14, $0x31  }
0x16: {  	s16 =	smov.u32 @p2 s12  }
0x17: {  	s14 =	simm.s32 @p2 $0x0;
	p2 =	sgt.s32 s16, $0x3FFF  }
0x18: {  	s16 =	smov.u32 @p2 s2;
	p2 =	sne.s32 s11, s7  }
.Ltmp1:
0x19: {  	p1 =	slt.u32 s11, $0x2;
	(pc) =	sbr.rel @!p2 .LBB1_6-.Ltmp1, $4  }
0x1a: {  	s15 =	simm.s32 @!p1 $0x2  }
0x1b: {  	s13 =	smov.u32 s10;
	p0 =	por !p0, !p0;
	_ =	swait.ge @!p1 [sflag:s15], $0x1000  }
0x1c: {  	s12 =	smov.u32 s9;
	[sflag:s15] =	ssyncset.done @!p1 $0x0;
	s9 =	smov.u32 s14  }
0x1d: {  	s11 =	sadd.s32 $0x1, s11;
	[sflag:s15] =	ssyncadd.s32 @!p1 $0xFFFFF000;
	s10 =	smov.u32 s16  }
.LBB1_1:
0x1e: {  	p1 =	sge.u32 s11, s5  }
0x1f: {  	s14 =	sand.u32 @!p1 $0x1FFFFFF, s9  }
0x20: {  	s15 =	smulhi.u32 @!p1 $0x4924925, s14;
	_ =	sdelay $0x1  }
0x21: {  	s15 =	smul.u32 @!p1 $0x38, s15  }
0x22: {  	s16 =	sxor.u32 @!p1 $0xFFFFFFFF, s11;
	s17 =	smul.u32 @!p1 $0x380, s10  }
0x23: {  	s31 =	sadd.s32 $0xFFFFFFFF, s11;
	s16 =	sshll.u32 @!p1 s16, $0xC;
	s14 =	ssub.s32 @!p1 s14, s15  }
0x24: {  	s15 =	sand.u32 @!p1 $0x1000, s16;
	s16 =	sadd.s32 @!p1 s6, s17;
	s14 =	sshll.u32 @!p1 s14, $0x4  }
0x25: {  	s17 =	simm.s32 @!p1 $0x1C00;
	s14 =	sadd.s32 @!p1 s14, s16;
	s16 =	simm.s32 @!p1 $0x20  }
0x26: {  	[tilespmem:s15], [sflag:$0x1] =	stream.strided.gather @!p1 [hbm4b:s14+s16], $0x1000, s17, s16, $0x38;
	[tilespmem:$0x4040] =	vst v63  }
0x27: {  	p1 =	sge.u32 s31, s5  }
.Ltmp2:
0x28: {  	_ = 	snop;
	(pc) =	sbr.rel @p1 .LBB1_5-.Ltmp2, $1  }
0x29: {  	_ =	sdelay $0x3  }
0x2a: {  	s14 =	simm.s32 $0x1  }
0x2b: {  	_ =	swait.ge [sflag:s4], $0x1000;
	s14 =	simm.s32 @!p0 $0x0  }
0x2c: {  	[sflag:s4] =	ssyncset.done $0x0;
	s15 =	sshll.u32 s14, $0xC  }
0x2d: {  	[sflag:s4] =	ssyncadd.s32 $0xFFFFF000;
	s18 =	sor.u32 $0x10, s15  }
0x2e: {  	s14 =	smul.u32 $0x4080, s14;
	v1 =	vld [tilespmem:s18+$0x0]  }
0x2f: {  	s30 =	sand.u32 $0x1, s11;
	v0 =	vld [tilespmem:s18+$0xFFFFFFF0]  }
0x30: {  	s15 =	smul.u32 $0x4080, s30;
	s14 =	sshrl.u32 s14, $0x2  }
0x31: {  	s16 =	sor.u32 $0x2000, s14  }
0x32: {  	s31 =	sshrl.u32 s15, $0x2;
	s15 =	sadd.s32 $0x0, s16  }
0x33: {  	s17 =	simm.s32 $0x4;
	s18 =	sadd.s32 $0x20, s18;
	s14 =	sor.u32 $0x2000, s31;
	[tilespmem:s15+$0x810 ss:$0x81] =	vst.msk $0xffff, v1  }
.LBB1_3:
0x34: {  	v1 =	vld [tilespmem:s18+$0x0];
	p1 =	sne.s32 s17, $0x1FC;
	[tilespmem:s15+$0x0 ss:$0x81] =	vst.msk $0xffff, v0;
	s15 =	smov.u32 s17;
	s17 =	sadd.s32 $0x4, s17  }
.Ltmp3:
0x35: {  	v0 =	vld [tilespmem:s18+$0xFFFFFFF0];
	(pc) =	sbr.rel @p1 .LBB1_3-.Ltmp3, $4  }
0x36: {  	_ = 	snop  }
0x37: {  	s15 =	sshra.s32 s15, $0x2  }
0x38: {  	s15 =	sadd.s32 s15, s16  }
0x39: {  	s18 =	sadd.s32 $0x20, s18;
	[tilespmem:s15+$0x810 ss:$0x81] =	vst.msk $0xffff, v1  }
.Ltmp4:
0x3a: {  	_ = 	snop;
	(pc) =	sbr.rel .LBB1_4-.Ltmp4, $1  }
0x3b: {  	_ =	sdelay $0x3  }
.LBB1_6:
0x3c: {  	_ =	sfence.sel $0x180000  }
0x3d: {  	s2 =	simm.s32 $0x1;
	[bflag:$0x0] =	sbarrier.arrive $0xFFFF  }
0x3e: {  	s31 =	simm.s32 $0x2;
	[sflag:s2] =	ssyncpa.u1 $0x1  }
0x3f: {  	[sflag:s31] =	ssyncpa.u1 $0x1  }
0x40: {  	p0 =	sne.s32 s0, $0x0;
	_ =	strace $0x9000004A  }
0x41: {  	s0 =	sadd.s32 @!p0 $0x100000, s1;
	[bflag:$0x2] =	sbarrier.arrive $0xFFFF  }
0x42: {  	[sflag:s0] =	ssyncadd.tile.s32 @!p0 $0x1;
	_ =	shalt  }
.Lfunc_end1:
_tile_overlayer_lowered:
.L_overlay_start_2:
0x43: {  	(tag) =	ssettag $0x2  }
0x44: {  	s0 =	rddreg [dreg:$0x0];
	s2 =	stileid.u32  }
0x45: {  	s1 =	rddreg [dreg:$0x1];
	p0 =	sne.s32 s2, $0x0  }
0x46: {  	s3 =	rddreg [dreg:$0x2];
	[bflag:$0x3] =	sbarrier.arrive $0xFFFF;
	s2 =	simm.s32 @!p0 $0x1C01  }
0x47: {  	[timem:s3], [sflag:s2] =	dma.local @!p0 [hbm:s0], s1  }
0x48: {  	s0 =	simm.s32 @!p0 $0x1  }
0x49: {  	_ =	swait.ge @!p0 [sflag:s0], s1  }
0x4a: {  	s1 =	ssub.s32 @!p0 $0x0, s1;
	[sflag:s0] =	ssyncset.done @!p0 $0x0  }
0x4b: {  	[sflag:s0] =	ssyncadd.s32 @!p0 s1  }
0x4c: {  	[bflag:$0x3] =	sbarrier.arrive $0xFFFF  }
0x4d: {  	_ =	shalt  }

</sc_bundles>
